<compile_context>
chip_gen: v7x
topology: tpu7x:2x2x1
jax: 0.10.2.dev20260603
libtpu: 0.0.44.dev20260713+nightly
codegen_flags: <defaults>
</compile_context>

<pallas_src>
import functools

import jax
import jax.numpy as jnp
from jax import lax
from jax.experimental import pallas as pl
from jax.experimental.pallas import tpu as pltpu
from jax.experimental.pallas import tpu_sc as plsc

B = 16384
DMF = 16
DMLP = 32
NC = 2
NS = 16
NW = NC * NS
BPW = B // NW
NROWS = 1000000
NTB = (NROWS // 128) * 128
NTAIL = NROWS - NTB
RBMAX = NTB // 128 - 1
SLOTS = 4
CB = 2
CW = CB * 128
BSMAX = (NROWS - CW) // 128
PCH = BPW // 128


def _sc_gather_body(su_hbm, si_hbm, pu_hbm, pi_hbm,
                    mfuT, mfiT, mluT, mliT,
                    tfu_hbm, tfi_hbm, tmu_hbm, tmi_hbm,
                    out_u, out_i,
                    sidx_v, perm_v, fml, fmf, rowbuf, tml_v, tmf_v, sems,
                    osem):
    wid = lax.axis_index("s") * NC + lax.axis_index("c")
    rows = lax.iota(jnp.int32, 16)

    def run_phase(idx_hbm, perm_hbm, mlT, mfT, tml_hbm, tmf_hbm, out_hbm):
        pltpu.sync_copy(idx_hbm.at[wid], sidx_v.at[pl.ds(0, BPW)])
        pltpu.sync_copy(perm_hbm.at[pl.ds(wid * PCH, PCH)], perm_v)
        pltpu.sync_copy(tml_hbm, tml_v)
        pltpu.sync_copy(tmf_hbm, tmf_v)

        def fetch(k, slot):
            bs = lax.min(b0 + CB * k, BSMAX)
            off = pl.multiple_of(bs * 128, 128)
            pltpu.async_copy(mlT.at[:, pl.ds(off, CW)], fml.at[slot],
                             sems.at[slot])
            pltpu.async_copy(mfT.at[:, pl.ds(off, CW)], fmf.at[slot],
                             sems.at[slot])

        b0 = sidx_v[pl.ds(0, 16)][0] >> 7
        bl = sidx_v[pl.ds(BPW - 16, 16)][15] >> 7
        nck = (bl - b0) // CB + 1

        for k0 in range(SLOTS):
            @pl.when(k0 < nck)
            def _():
                fetch(k0, k0)

        def chunk_body(k, carry):
            p, rn = carry
            sl = lax.rem(k, SLOTS)
            pltpu.make_async_copy(mlT.at[:, pl.ds(0, CW)], fml.at[sl],
                                  sems.at[sl]).wait()
            pltpu.make_async_copy(mfT.at[:, pl.ds(0, CW)], fmf.at[sl],
                                  sems.at[sl]).wait()
            bound = (b0 + CB * (k + 1)) * 128
            bs128 = lax.min(b0 + CB * k, BSMAX) * 128
            slv = jnp.full((16,), sl, jnp.int32)

            def wcond(pr):
                p, rn = pr
                return jnp.logical_and(p < BPW, rn < bound)

            def wbody(pr):
                p, rn = pr
                rv = jnp.full((16,), rn, jnp.int32)
                lane = jnp.minimum(rv - bs128, CW - 1)
                for h in range(DMLP // 16):
                    r16 = rows + h * 16
                    rowbuf[p, pl.ds(h * 16, 16)] = plsc.load_gather(
                        fml, [slv, r16, lane])
                rowbuf[p, pl.ds(DMLP, DMF)] = plsc.load_gather(
                    fmf, [slv, rows, lane])

                @pl.when(rn >= NTB)
                def _():
                    tl = rv - NTB
                    for h in range(DMLP // 16):
                        r16 = rows + h * 16
                        rowbuf[p, pl.ds(h * 16, 16)] = plsc.load_gather(
                            tml_v, [r16, tl])
                    rowbuf[p, pl.ds(DMLP, DMF)] = plsc.load_gather(
                        tmf_v, [rows, tl])

                p2 = p + 1
                rn2 = sidx_v[pl.ds(lax.min(p2, BPW - 1), 16)][0]
                return (p2, rn2)

            p, rn = lax.while_loop(wcond, wbody, (p, rn))

            @pl.when(k + SLOTS < nck)
            def _():
                fetch(k + SLOTS, sl)
            return (p, rn)

        rn0 = sidx_v[pl.ds(0, 16)][0]
        lax.fori_loop(0, nck, chunk_body, (jnp.int32(0), rn0))

        scat = []
        for j in range(PCH):
            scat.append(pltpu.async_copy(
                rowbuf.at[pl.ds(j * 128, 128)], out_hbm.at[perm_v.at[j]],
                osem))
        for s in scat:
            s.wait()

    run_phase(su_hbm, pu_hbm, mluT, mfuT, tmu_hbm, tfu_hbm, out_u)
    run_phase(si_hbm, pi_hbm, mliT, mfiT, tmi_hbm, tfi_hbm, out_i)


_sc_gather = functools.partial(
    pl.kernel,
    mesh=plsc.VectorSubcoreMesh(core_axis_name="c", subcore_axis_name="s"),
    out_type=[
        jax.ShapeDtypeStruct((B, 128), jnp.float32),
        jax.ShapeDtypeStruct((B, 128), jnp.float32),
    ],
    scratch_types=[
        pltpu.VMEM((BPW + 32,), jnp.int32),
        pltpu.VMEM((PCH, 128), jnp.int32),
        pltpu.VMEM((SLOTS, DMLP, CW), jnp.float32),
        pltpu.VMEM((SLOTS, DMF, CW), jnp.float32),
        pltpu.VMEM((BPW, 128), jnp.float32),
        pltpu.VMEM((DMLP, NTAIL), jnp.float32),
        pltpu.VMEM((DMF, NTAIL), jnp.float32),
        pltpu.SemaphoreType.DMA((SLOTS,)),
        pltpu.SemaphoreType.DMA,
    ],
    compiler_params=pltpu.CompilerParams(needs_layout_passes=False,
                                         use_tc_tiling_on_sc=True),
)(_sc_gather_body)


def _mlp_body(u_ref, i_ref, w0u_ref, w0i_ref, b0_ref, w1_ref, b1_ref,
              w2_ref, b2_ref, wnm_ref, wnh_ref, bn_ref, out_ref):
    bu = u_ref[...]
    bi = i_ref[...]
    xu = bu[:, 0:DMLP]
    xi = bi[:, 0:DMLP]
    mfp = bu[:, DMLP:DMLP + DMF] * bi[:, DMLP:DMLP + DMF]
    h = jnp.dot(xu, w0u_ref[...], preferred_element_type=jnp.float32)
    h += jnp.dot(xi, w0i_ref[...], preferred_element_type=jnp.float32)
    h = jnp.maximum(h + b0_ref[...], 0.0)
    h = jnp.maximum(jnp.dot(h, w1_ref[...], preferred_element_type=jnp.float32)
                    + b1_ref[...], 0.0)
    h = jnp.maximum(jnp.dot(h, w2_ref[...], preferred_element_type=jnp.float32)
                    + b2_ref[...], 0.0)
    logit = jnp.dot(mfp, wnm_ref[...], preferred_element_type=jnp.float32)
    logit += jnp.dot(h, wnh_ref[...], preferred_element_type=jnp.float32)
    logit += bn_ref[...]
    out_ref[...] = 1.0 / (1.0 + jnp.exp(-logit))


def _mlp_call(gu, gi, w0u, w0i, b0, w1, b1, w2, b2, wnm, wnh, bn):
    BT = 2048
    grid = (B // BT,)
    row_spec = pl.BlockSpec((BT, 128), lambda i: (i, 0))
    full = lambda a, b: pl.BlockSpec((a, b), lambda i: (0, 0))
    return pl.pallas_call(
        _mlp_body,
        grid=grid,
        in_specs=[
            row_spec, row_spec,
            full(DMLP, 32), full(DMLP, 32), full(1, 32),
            full(32, 16), full(1, 16),
            full(16, 8), full(1, 8),
            full(DMF, 1), full(8, 1), full(1, 1),
        ],
        out_specs=pl.BlockSpec((BT, 1), lambda i: (i, 0)),
        out_shape=jax.ShapeDtypeStruct((B, 1), jnp.float32),
    )(gu, gi, w0u, w0i, b0, w1, b1, w2, b2, wnm, wnh, bn)


@jax.jit
def kernel(user_indices, item_indices, mf_user_table, mf_item_table,
           mlp_user_table, mlp_item_table, W0, b0, W1, b1, W2, b2, Wn, bn):
    ar = lax.iota(jnp.int32, B)
    su, pu = lax.sort((user_indices.astype(jnp.int32), ar), num_keys=1)
    si, pi = lax.sort((item_indices.astype(jnp.int32), ar), num_keys=1)
    su = su.reshape(NW, BPW)
    si = si.reshape(NW, BPW)
    gu, gi = _sc_gather(
        su, si,
        pu.reshape(B // 128, 128), pi.reshape(B // 128, 128),
        mf_user_table.T, mf_item_table.T,
        mlp_user_table.T, mlp_item_table.T,
        mf_user_table[NTB:].T, mf_item_table[NTB:].T,
        mlp_user_table[NTB:].T, mlp_item_table[NTB:].T,
    )
    return _mlp_call(gu, gi,
                     W0[:DMLP], W0[DMLP:], b0.reshape(1, 32),
                     W1, b1.reshape(1, 16), W2, b2.reshape(1, 8),
                     Wn[:DMF], Wn[DMF:], bn.reshape(1, 1))

# --- scband reference (transcript-rebuilt; emitter-appended) ---
"""Pipeline reference for scband-neu-mf-36206574305587 (READ-ONLY COPY).

The authoritative reference and input builder live on the scoring server;
editing this copy changes nothing except your own understanding.
"""

import jax, jax.numpy as jnp
import numpy as np

B = 16384
NU = 1000000
NI = 1000000
DMF = 16
DMLP = 32  # mlp_layer_sizes[0] // 2


def setup_inputs(seed: int = 0):
    key = jax.random.key(seed)
    ks = jax.random.split(key, 16)
    user_indices = jax.random.randint(ks[0], (B,), 0, NU)
    item_indices = jax.random.randint(ks[1], (B,), 0, NI)
    mf_user_table = jax.random.normal(ks[2], (NU, DMF), dtype=jnp.float32) * 0.05
    mf_item_table = jax.random.normal(ks[3], (NI, DMF), dtype=jnp.float32) * 0.05
    mlp_user_table = jax.random.normal(ks[4], (NU, DMLP), dtype=jnp.float32) * 0.05
    mlp_item_table = jax.random.normal(ks[5], (NI, DMLP), dtype=jnp.float32) * 0.05
    W0 = jax.random.normal(ks[6], (64, 32), dtype=jnp.float32) * 0.05
    b0 = jnp.zeros((32,), dtype=jnp.float32)
    W1 = jax.random.normal(ks[7], (32, 16), dtype=jnp.float32) * 0.05
    b1 = jnp.zeros((16,), dtype=jnp.float32)
    W2 = jax.random.normal(ks[8], (16, 8), dtype=jnp.float32) * 0.05
    b2 = jnp.zeros((8,), dtype=jnp.float32)
    Wn = jax.random.normal(ks[9], (8 + DMF, 1), dtype=jnp.float32) * 0.05
    bn = jnp.zeros((1,), dtype=jnp.float32)
    return {
        'user_indices': user_indices,
        'item_indices': item_indices,
        'mf_user_table': mf_user_table,
        'mf_item_table': mf_item_table,
        'mlp_user_table': mlp_user_table,
        'mlp_item_table': mlp_item_table,
        'W0': W0, 'b0': b0,
        'W1': W1, 'b1': b1,
        'W2': W2, 'b2': b2,
        'Wn': Wn, 'bn': bn,
    }


def reference(user_indices, item_indices, mf_user_table, mf_item_table,
              mlp_user_table, mlp_item_table, W0, b0, W1, b1, W2, b2, Wn, bn):
    mlp_u = jnp.take(mlp_user_table, user_indices, axis=0)
    mlp_i = jnp.take(mlp_item_table, item_indices, axis=0)
    mf_u = jnp.take(mf_user_table, user_indices, axis=0)
    mf_i = jnp.take(mf_item_table, item_indices, axis=0)
    mlp_input = jnp.concatenate([mlp_u, mlp_i], axis=-1)
    mf_output = mf_u * mf_i
    h = jnp.maximum(mlp_input @ W0 + b0, 0.0)
    h = jnp.maximum(h @ W1 + b1, 0.0)
    h = jnp.maximum(h @ W2 + b2, 0.0)
    neumf_input = jnp.concatenate([mf_output, h], axis=-1)
    out = jax.nn.sigmoid(neumf_input @ Wn + bn)
    return out

if __name__ == "__main__":
    import jax
    _d = setup_inputs()
    print(jax.jit(kernel)(*tuple(_d.values())))

</pallas_src>

<mosaic_0001>
#map = affine_map<(d0, d1) -> (0, 0)>
module attributes {stable_mosaic.version = 14 : i64} {
  func.func @_sc_gather_body(%arg0: i32, %arg1: i32, %arg2: memref<32x512xi32, #tpu.memory_space<hbm>>, %arg3: memref<32x512xi32, #tpu.memory_space<hbm>>, %arg4: memref<128x128xi32, #tpu.memory_space<hbm>>, %arg5: memref<128x128xi32, #tpu.memory_space<hbm>>, %arg6: memref<16x1000000xf32, #tpu.memory_space<hbm>>, %arg7: memref<16x1000000xf32, #tpu.memory_space<hbm>>, %arg8: memref<32x1000000xf32, #tpu.memory_space<hbm>>, %arg9: memref<32x1000000xf32, #tpu.memory_space<hbm>>, %arg10: memref<16x64xf32, #tpu.memory_space<hbm>>, %arg11: memref<16x64xf32, #tpu.memory_space<hbm>>, %arg12: memref<32x64xf32, #tpu.memory_space<hbm>>, %arg13: memref<32x64xf32, #tpu.memory_space<hbm>>, %arg14: memref<16384x128xf32, #tpu.memory_space<hbm>>, %arg15: memref<16384x128xf32, #tpu.memory_space<hbm>>, %arg16: memref<544xi32, #tpu.memory_space<vmem>>, %arg17: memref<4x128xi32, #tpu.memory_space<vmem>>, %arg18: memref<4x32x256xf32, #tpu.memory_space<vmem>>, %arg19: memref<4x16x256xf32, #tpu.memory_space<vmem>>, %arg20: memref<512x128xf32, #tpu.memory_space<vmem>>, %arg21: memref<32x64xf32, #tpu.memory_space<vmem>>, %arg22: memref<16x64xf32, #tpu.memory_space<vmem>>, %arg23: memref<4x!tpu.dma_semaphore, #tpu.memory_space<semaphore_mem>>, %arg24: memref<!tpu.dma_semaphore, #tpu.memory_space<semaphore_mem>>) attributes {dimension_semantics = [#tpu.dimension_semantics<core_parallel>, #tpu.dimension_semantics<subcore_parallel>], iteration_bounds = array<i64: 2, 16>, scalar_prefetch = 0 : i64, scratch_operands = 9 : i64, tpu.core_type = #tpu.core_type<sc_vector_subcore>, window_params = [{transform_indices = #map}, {transform_indices = #map}, {transform_indices = #map}, {transform_indices = #map}, {transform_indices = #map}, {transform_indices = #map}, {transform_indices = #map}, {transform_indices = #map}, {transform_indices = #map}, {transform_indices = #map}, {transform_indices = #map}, {transform_indices = #map}, {transform_indices = #map}, {transform_indices = #map}]} {
    %mul3A = arith.constant 2 : i32
    %mul3A_0 = arith.muli %arg1, %mul3A : i32
    %add3A = arith.addi %mul3A_0, %arg0 : i32
    %iota3A = tpu.iota {dimensions = array<i32: 0>} : vector<16xi32>
    "tpu.region"() ({
      %run_scoped3A = tpu.sem_alloc : memref<!tpu.dma_semaphore, #tpu.memory_space<semaphore_mem>>
      %dma_start3A_297 = arith.constant 0 : i32
      %dma_start3A_298 = tpu.memref_slice %arg16[%dma_start3A_297] : memref<544xi32, #tpu.memory_space<vmem>> -> memref<512xi32, #tpu.memory_space<vmem>>
      %dma_start3A_299 = arith.constant 0 : i32
      %dma_start3A_300 = tpu.memref_slice %arg2[%add3A, %dma_start3A_299] : memref<32x512xi32, #tpu.memory_space<hbm>> -> memref<1x512xi32, #tpu.memory_space<hbm>>
      %dma_start3A_301 = tpu.memref_squeeze %dma_start3A_300 : memref<1x512xi32, #tpu.memory_space<hbm>> -> memref<512xi32, #tpu.memory_space<hbm>>
      %dma_start3A_302 = arith.constant 0 : i32
      %dma_start3A_303 = tpu.memref_slice %arg16[%dma_start3A_302] : memref<544xi32, #tpu.memory_space<vmem>> -> memref<512xi32, #tpu.memory_space<vmem>>
      %dma_start3A_304 = arith.constant 0 : i32
      %dma_start3A_305 = tpu.memref_slice %arg2[%add3A, %dma_start3A_304] : memref<32x512xi32, #tpu.memory_space<hbm>> -> memref<1x512xi32, #tpu.memory_space<hbm>>
      %dma_start3A_306 = tpu.memref_squeeze %dma_start3A_305 : memref<1x512xi32, #tpu.memory_space<hbm>> -> memref<512xi32, #tpu.memory_space<hbm>>
      tpu.enqueue_dma source(%dma_start3A_306 : memref<512xi32, #tpu.memory_space<hbm>>) target(%dma_start3A_303 : memref<512xi32, #tpu.memory_space<vmem>>) target_semaphore(%run_scoped3A : memref<!tpu.dma_semaphore, #tpu.memory_space<semaphore_mem>>)
      %dma_wait3A_307 = arith.constant 0 : i32
      %dma_wait3A_308 = tpu.memref_slice %arg16[%dma_wait3A_307] : memref<544xi32, #tpu.memory_space<vmem>> -> memref<512xi32, #tpu.memory_space<vmem>>
      %dma_wait3A_309 = arith.constant 0 : i32
      %dma_wait3A_310 = tpu.memref_slice %arg2[%add3A, %dma_wait3A_309] : memref<32x512xi32, #tpu.memory_space<hbm>> -> memref<1x512xi32, #tpu.memory_space<hbm>>
      %dma_wait3A_311 = tpu.memref_squeeze %dma_wait3A_310 : memref<1x512xi32, #tpu.memory_space<hbm>> -> memref<512xi32, #tpu.memory_space<hbm>>
      %dma_wait3A_312 = arith.constant 0 : i32
      %dma_wait3A_313 = tpu.memref_slice %arg16[%dma_wait3A_312] : memref<544xi32, #tpu.memory_space<vmem>> -> memref<512xi32, #tpu.memory_space<vmem>>
      %dma_wait3A_314 = arith.constant 0 : i32
      %dma_wait3A_315 = tpu.memref_slice %arg2[%add3A, %dma_wait3A_314] : memref<32x512xi32, #tpu.memory_space<hbm>> -> memref<1x512xi32, #tpu.memory_space<hbm>>
      %dma_wait3A_316 = tpu.memref_squeeze %dma_wait3A_315 : memref<1x512xi32, #tpu.memory_space<hbm>> -> memref<512xi32, #tpu.memory_space<hbm>>
      tpu.wait_dma2 semaphore(%run_scoped3A : memref<!tpu.dma_semaphore, #tpu.memory_space<semaphore_mem>>) src(%dma_wait3A_316 : memref<512xi32, #tpu.memory_space<hbm>>) dst(%dma_wait3A_313 : memref<512xi32, #tpu.memory_space<vmem>>)
      tpu.yield
    }) : () -> ()
    %mul3A_1 = arith.constant 4 : i32
    %mul3A_2 = arith.muli %add3A, %mul3A_1 : i32
    "tpu.region"() ({
      %run_scoped3A = tpu.sem_alloc : memref<!tpu.dma_semaphore, #tpu.memory_space<semaphore_mem>>
      %dma_start3A_297 = arith.constant 0 : i32
      %dma_start3A_298 = tpu.memref_slice %arg4[%mul3A_2, %dma_start3A_297] : memref<128x128xi32, #tpu.memory_space<hbm>> -> memref<4x128xi32, #tpu.memory_space<hbm>>
      %dma_start3A_299 = arith.constant 0 : i32
      %dma_start3A_300 = tpu.memref_slice %arg4[%mul3A_2, %dma_start3A_299] : memref<128x128xi32, #tpu.memory_space<hbm>> -> memref<4x128xi32, #tpu.memory_space<hbm>>
      tpu.enqueue_dma source(%dma_start3A_300 : memref<4x128xi32, #tpu.memory_space<hbm>>) target(%arg17 : memref<4x128xi32, #tpu.memory_space<vmem>>) target_semaphore(%run_scoped3A : memref<!tpu.dma_semaphore, #tpu.memory_space<semaphore_mem>>)
      %dma_wait3A_301 = arith.constant 0 : i32
      %dma_wait3A_302 = tpu.memref_slice %arg4[%mul3A_2, %dma_wait3A_301] : memref<128x128xi32, #tpu.memory_space<hbm>> -> memref<4x128xi32, #tpu.memory_space<hbm>>
      %dma_wait3A_303 = arith.constant 0 : i32
      %dma_wait3A_304 = tpu.memref_slice %arg4[%mul3A_2, %dma_wait3A_303] : memref<128x128xi32, #tpu.memory_space<hbm>> -> memref<4x128xi32, #tpu.memory_space<hbm>>
      tpu.wait_dma2 semaphore(%run_scoped3A : memref<!tpu.dma_semaphore, #tpu.memory_space<semaphore_mem>>) src(%dma_wait3A_304 : memref<4x128xi32, #tpu.memory_space<hbm>>) dst(%arg17 : memref<4x128xi32, #tpu.memory_space<vmem>>)
      tpu.yield
    }) : () -> ()
    "tpu.region"() ({
      %run_scoped3A = tpu.sem_alloc : memref<!tpu.dma_semaphore, #tpu.memory_space<semaphore_mem>>
      tpu.enqueue_dma source(%arg12 : memref<32x64xf32, #tpu.memory_space<hbm>>) target(%arg21 : memref<32x64xf32, #tpu.memory_space<vmem>>) target_semaphore(%run_scoped3A : memref<!tpu.dma_semaphore, #tpu.memory_space<semaphore_mem>>)
      tpu.wait_dma2 semaphore(%run_scoped3A : memref<!tpu.dma_semaphore, #tpu.memory_space<semaphore_mem>>) src(%arg12 : memref<32x64xf32, #tpu.memory_space<hbm>>) dst(%arg21 : memref<32x64xf32, #tpu.memory_space<vmem>>)
      tpu.yield
    }) : () -> ()
    "tpu.region"() ({
      %run_scoped3A = tpu.sem_alloc : memref<!tpu.dma_semaphore, #tpu.memory_space<semaphore_mem>>
      tpu.enqueue_dma source(%arg10 : memref<16x64xf32, #tpu.memory_space<hbm>>) target(%arg22 : memref<16x64xf32, #tpu.memory_space<vmem>>) target_semaphore(%run_scoped3A : memref<!tpu.dma_semaphore, #tpu.memory_space<semaphore_mem>>)
      tpu.wait_dma2 semaphore(%run_scoped3A : memref<!tpu.dma_semaphore, #tpu.memory_space<semaphore_mem>>) src(%arg10 : memref<16x64xf32, #tpu.memory_space<hbm>>) dst(%arg22 : memref<16x64xf32, #tpu.memory_space<vmem>>)
      tpu.yield
    }) : () -> ()
    %get3A = arith.constant 0 : index
    %get3A_3 = tpu.vector_load %arg16[%get3A] {strides = array<i32>} : memref<544xi32, #tpu.memory_space<vmem>>, vector<16xi32>,
    %slice3A = vector.extract_strided_slice %get3A_3 {offsets = [0], sizes = [1], strides = [1]} : vector<16xi32> to vector<1xi32>
    %squeeze3A = vector.extract %slice3A[0] : i32 from vector<1xi32>
    %shift_right_arithmetic3A = arith.constant 7 : i32
    %shift_right_arithmetic3A_4 = arith.shrsi %squeeze3A, %shift_right_arithmetic3A : i32
    %get3A_5 = arith.constant 496 : index
    %get3A_6 = tpu.vector_load %arg16[%get3A_5] {strides = array<i32>} : memref<544xi32, #tpu.memory_space<vmem>>, vector<16xi32>,
    %slice3A_7 = vector.extract_strided_slice %get3A_6 {offsets = [15], sizes = [1], strides = [1]} : vector<16xi32> to vector<1xi32>
    %squeeze3A_8 = vector.extract %slice3A_7[0] : i32 from vector<1xi32>
    %shift_right_arithmetic3A_9 = arith.constant 7 : i32
    %shift_right_arithmetic3A_10 = arith.shrsi %squeeze3A_8, %shift_right_arithmetic3A_9 : i32
    %sub3A = arith.subi %shift_right_arithmetic3A_10, %shift_right_arithmetic3A_4 : i32
    %jit3A = arith.constant 2 : i32
    %div3A = arith.divsi %sub3A, %jit3A : i32
    %sign3A = arith.constant 0 : i32
    %sign3A_11 = arith.cmpi sgt, %sub3A, %sign3A : i32
    %sign3A_12 = arith.extui %sign3A_11 : i1 to i32
    %sign3A_13 = arith.constant 0 : i32
    %sign3A_14 = arith.cmpi slt, %sub3A, %sign3A_13 : i32
    %sign3A_15 = arith.extui %sign3A_14 : i1 to i32
    %sign3A_16 = arith.subi %sign3A_12, %sign3A_15 : i32
    %sign3A_17 = arith.constant 0 : i32
    %sign3A_18 = arith.cmpi sgt, %jit3A, %sign3A_17 : i32
    %sign3A_19 = arith.extui %sign3A_18 : i1 to i32
    %sign3A_20 = arith.constant 0 : i32
    %sign3A_21 = arith.cmpi slt, %jit3A, %sign3A_20 : i32
    %sign3A_22 = arith.extui %sign3A_21 : i1 to i32
    %sign3A_23 = arith.subi %sign3A_19, %sign3A_22 : i32
    %ne3A = arith.cmpi ne, %sign3A_16, %sign3A_23 : i32
    %rem3A = arith.remsi %sub3A, %jit3A : i32
    %ne3A_24 = arith.constant 0 : i32
    %ne3A_25 = arith.cmpi ne, %rem3A, %ne3A_24 : i32
    %and3A = arith.andi %ne3A, %ne3A_25 : i1
    %sub3A_26 = arith.constant 1 : i32
    %sub3A_27 = arith.subi %div3A, %sub3A_26 : i32
    %select_n3A = arith.select %and3A, %sub3A_27, %div3A : i32
    %add3A_28 = arith.constant 1 : i32
    %add3A_29 = arith.addi %select_n3A, %add3A_28 : i32
    %gt3A = arith.constant 0 : i32
    %gt3A_30 = arith.cmpi sgt, %add3A_29, %gt3A : i32
    %convert_element_type3A = arith.extui %gt3A_30 : i1 to i32
    %cond3A = arith.constant 0 : i32
    %cond3A_31 = arith.cmpi ne, %convert_element_type3A, %cond3A : i32
    scf.if %cond3A_31 {
      %add3A_297 = arith.constant 0 : i32
      %add3A_298 = arith.addi %shift_right_arithmetic3A_4, %add3A_297 : i32
      %min3A = arith.constant 7810 : i32
      %min3A_299 = arith.minsi %add3A_298, %min3A : i32
      %mul3A_300 = arith.constant 128 : i32
      %mul3A_301 = arith.muli %min3A_299, %mul3A_300 : i32
      %multiple_of3A = tpu.assume_multiple %mul3A_301, 128 : i32
      %dma_start3A_302 = arith.constant 0 : i32
      %dma_start3A_303 = arith.constant 0 : i32
      %dma_start3A_304 = arith.constant 0 : i32
      %dma_start3A_305 = arith.constant 0 : i32
      %dma_start3A_306 = tpu.memref_slice %arg18[%dma_start3A_302, %dma_start3A_304, %dma_start3A_305] : memref<4x32x256xf32, #tpu.memory_space<vmem>> -> memref<1x32x256xf32, #tpu.memory_space<vmem>>
      %dma_start3A_307 = tpu.memref_squeeze %dma_start3A_306 : memref<1x32x256xf32, #tpu.memory_space<vmem>> -> memref<32x256xf32, #tpu.memory_space<vmem>>
      %dma_start3A_308 = arith.constant 0 : i32
      %dma_start3A_309 = tpu.memref_slice %arg8[%dma_start3A_308, %multiple_of3A] : memref<32x1000000xf32, #tpu.memory_space<hbm>> -> memref<32x256xf32, #tpu.memory_space<hbm>>
      %dma_start3A_310 = tpu.memref_slice %arg23[%dma_start3A_303] : memref<4x!tpu.dma_semaphore, #tpu.memory_space<semaphore_mem>> -> memref<1x!tpu.dma_semaphore, #tpu.memory_space<semaphore_mem>>
      %dma_start3A_311 = tpu.memref_squeeze %dma_start3A_310 : memref<1x!tpu.dma_semaphore, #tpu.memory_space<semaphore_mem>> -> memref<!tpu.dma_semaphore, #tpu.memory_space<semaphore_mem>>
      %dma_start3A_312 = arith.constant 0 : i32
      %dma_start3A_313 = arith.constant 0 : i32
      %dma_start3A_314 = tpu.memref_slice %arg18[%dma_start3A_302, %dma_start3A_312, %dma_start3A_313] : memref<4x32x256xf32, #tpu.memory_space<vmem>> -> memref<1x32x256xf32, #tpu.memory_space<vmem>>
      %dma_start3A_315 = tpu.memref_squeeze %dma_start3A_314 : memref<1x32x256xf32, #tpu.memory_space<vmem>> -> memref<32x256xf32, #tpu.memory_space<vmem>>
      %dma_start3A_316 = arith.constant 0 : i32
      %dma_start3A_317 = tpu.memref_slice %arg8[%dma_start3A_316, %multiple_of3A] : memref<32x1000000xf32, #tpu.memory_space<hbm>> -> memref<32x256xf32, #tpu.memory_space<hbm>>
      tpu.enqueue_dma source(%dma_start3A_317 : memref<32x256xf32, #tpu.memory_space<hbm>>) target(%dma_start3A_315 : memref<32x256xf32, #tpu.memory_space<vmem>>) target_semaphore(%dma_start3A_311 : memref<!tpu.dma_semaphore, #tpu.memory_space<semaphore_mem>>)
      %dma_start3A_318 = arith.constant 0 : i32
      %dma_start3A_319 = arith.constant 0 : i32
      %dma_start3A_320 = arith.constant 0 : i32
      %dma_start3A_321 = arith.constant 0 : i32
      %dma_start3A_322 = tpu.memref_slice %arg19[%dma_start3A_318, %dma_start3A_320, %dma_start3A_321] : memref<4x16x256xf32, #tpu.memory_space<vmem>> -> memref<1x16x256xf32, #tpu.memory_space<vmem>>
      %dma_start3A_323 = tpu.memref_squeeze %dma_start3A_322 : memref<1x16x256xf32, #tpu.memory_space<vmem>> -> memref<16x256xf32, #tpu.memory_space<vmem>>
      %dma_start3A_324 = arith.constant 0 : i32
      %dma_start3A_325 = tpu.memref_slice %arg6[%dma_start3A_324, %multiple_of3A] : memref<16x1000000xf32, #tpu.memory_space<hbm>> -> memref<16x256xf32, #tpu.memory_space<hbm>>
      %dma_start3A_326 = tpu.memref_slice %arg23[%dma_start3A_319] : memref<4x!tpu.dma_semaphore, #tpu.memory_space<semaphore_mem>> -> memref<1x!tpu.dma_semaphore, #tpu.memory_space<semaphore_mem>>
      %dma_start3A_327 = tpu.memref_squeeze %dma_start3A_326 : memref<1x!tpu.dma_semaphore, #tpu.memory_space<semaphore_mem>> -> memref<!tpu.dma_semaphore, #tpu.memory_space<semaphore_mem>>
      %dma_start3A_328 = arith.constant 0 : i32
      %dma_start3A_329 = arith.constant 0 : i32
      %dma_start3A_330 = tpu.memref_slice %arg19[%dma_start3A_318, %dma_start3A_328, %dma_start3A_329] : memref<4x16x256xf32, #tpu.memory_space<vmem>> -> memref<1x16x256xf32, #tpu.memory_space<vmem>>
      %dma_start3A_331 = tpu.memref_squeeze %dma_start3A_330 : memref<1x16x256xf32, #tpu.memory_space<vmem>> -> memref<16x256xf32, #tpu.memory_space<vmem>>
      %dma_start3A_332 = arith.constant 0 : i32
      %dma_start3A_333 = tpu.memref_slice %arg6[%dma_start3A_332, %multiple_of3A] : memref<16x1000000xf32, #tpu.memory_space<hbm>> -> memref<16x256xf32, #tpu.memory_space<hbm>>
      tpu.enqueue_dma source(%dma_start3A_333 : memref<16x256xf32, #tpu.memory_space<hbm>>) target(%dma_start3A_331 : memref<16x256xf32, #tpu.memory_space<vmem>>) target_semaphore(%dma_start3A_327 : memref<!tpu.dma_semaphore, #tpu.memory_space<semaphore_mem>>)
    } else {
    }
    %gt3A_32 = arith.constant 1 : i32
    %gt3A_33 = arith.cmpi sgt, %add3A_29, %gt3A_32 : i32
    %convert_element_type3A_34 = arith.extui %gt3A_33 : i1 to i32
    %cond3A_35 = arith.constant 0 : i32
    %cond3A_36 = arith.cmpi ne, %convert_element_type3A_34, %cond3A_35 : i32
    scf.if %cond3A_36 {
      %add3A_297 = arith.constant 2 : i32
      %add3A_298 = arith.addi %shift_right_arithmetic3A_4, %add3A_297 : i32
      %min3A = arith.constant 7810 : i32
      %min3A_299 = arith.minsi %add3A_298, %min3A : i32
      %mul3A_300 = arith.constant 128 : i32
      %mul3A_301 = arith.muli %min3A_299, %mul3A_300 : i32
      %multiple_of3A = tpu.assume_multiple %mul3A_301, 128 : i32
      %dma_start3A_302 = arith.constant 1 : i32
      %dma_start3A_303 = arith.constant 1 : i32
      %dma_start3A_304 = arith.constant 0 : i32
      %dma_start3A_305 = arith.constant 0 : i32
      %dma_start3A_306 = tpu.memref_slice %arg18[%dma_start3A_302, %dma_start3A_304, %dma_start3A_305] : memref<4x32x256xf32, #tpu.memory_space<vmem>> -> memref<1x32x256xf32, #tpu.memory_space<vmem>>
      %dma_start3A_307 = tpu.memref_squeeze %dma_start3A_306 : memref<1x32x256xf32, #tpu.memory_space<vmem>> -> memref<32x256xf32, #tpu.memory_space<vmem>>
      %dma_start3A_308 = arith.constant 0 : i32
      %dma_start3A_309 = tpu.memref_slice %arg8[%dma_start3A_308, %multiple_of3A] : memref<32x1000000xf32, #tpu.memory_space<hbm>> -> memref<32x256xf32, #tpu.memory_space<hbm>>
      %dma_start3A_310 = tpu.memref_slice %arg23[%dma_start3A_303] : memref<4x!tpu.dma_semaphore, #tpu.memory_space<semaphore_mem>> -> memref<1x!tpu.dma_semaphore, #tpu.memory_space<semaphore_mem>>
      %dma_start3A_311 = tpu.memref_squeeze %dma_start3A_310 : memref<1x!tpu.dma_semaphore, #tpu.memory_space<semaphore_mem>> -> memref<!tpu.dma_semaphore, #tpu.memory_space<semaphore_mem>>
      %dma_start3A_312 = arith.constant 0 : i32
      %dma_start3A_313 = arith.constant 0 : i32
      %dma_start3A_314 = tpu.memref_slice %arg18[%dma_start3A_302, %dma_start3A_312, %dma_start3A_313] : memref<4x32x256xf32, #tpu.memory_space<vmem>> -> memref<1x32x256xf32, #tpu.memory_space<vmem>>
      %dma_start3A_315 = tpu.memref_squeeze %dma_start3A_314 : memref<1x32x256xf32, #tpu.memory_space<vmem>> -> memref<32x256xf32, #tpu.memory_space<vmem>>
      %dma_start3A_316 = arith.constant 0 : i32
      %dma_start3A_317 = tpu.memref_slice %arg8[%dma_start3A_316, %multiple_of3A] : memref<32x1000000xf32, #tpu.memory_space<hbm>> -> memref<32x256xf32, #tpu.memory_space<hbm>>
      tpu.enqueue_dma source(%dma_start3A_317 : memref<32x256xf32, #tpu.memory_space<hbm>>) target(%dma_start3A_315 : memref<32x256xf32, #tpu.memory_space<vmem>>) target_semaphore(%dma_start3A_311 : memref<!tpu.dma_semaphore, #tpu.memory_space<semaphore_mem>>)
      %dma_start3A_318 = arith.constant 1 : i32
      %dma_start3A_319 = arith.constant 1 : i32
      %dma_start3A_320 = arith.constant 0 : i32
      %dma_start3A_321 = arith.constant 0 : i32
      %dma_start3A_322 = tpu.memref_slice %arg19[%dma_start3A_318, %dma_start3A_320, %dma_start3A_321] : memref<4x16x256xf32, #tpu.memory_space<vmem>> -> memref<1x16x256xf32, #tpu.memory_space<vmem>>
      %dma_start3A_323 = tpu.memref_squeeze %dma_start3A_322 : memref<1x16x256xf32, #tpu.memory_space<vmem>> -> memref<16x256xf32, #tpu.memory_space<vmem>>
      %dma_start3A_324 = arith.constant 0 : i32
      %dma_start3A_325 = tpu.memref_slice %arg6[%dma_start3A_324, %multiple_of3A] : memref<16x1000000xf32, #tpu.memory_space<hbm>> -> memref<16x256xf32, #tpu.memory_space<hbm>>
      %dma_start3A_326 = tpu.memref_slice %arg23[%dma_start3A_319] : memref<4x!tpu.dma_semaphore, #tpu.memory_space<semaphore_mem>> -> memref<1x!tpu.dma_semaphore, #tpu.memory_space<semaphore_mem>>
      %dma_start3A_327 = tpu.memref_squeeze %dma_start3A_326 : memref<1x!tpu.dma_semaphore, #tpu.memory_space<semaphore_mem>> -> memref<!tpu.dma_semaphore, #tpu.memory_space<semaphore_mem>>
      %dma_start3A_328 = arith.constant 0 : i32
      %dma_start3A_329 = arith.constant 0 : i32
      %dma_start3A_330 = tpu.memref_slice %arg19[%dma_start3A_318, %dma_start3A_328, %dma_start3A_329] : memref<4x16x256xf32, #tpu.memory_space<vmem>> -> memref<1x16x256xf32, #tpu.memory_space<vmem>>
      %dma_start3A_331 = tpu.memref_squeeze %dma_start3A_330 : memref<1x16x256xf32, #tpu.memory_space<vmem>> -> memref<16x256xf32, #tpu.memory_space<vmem>>
      %dma_start3A_332 = arith.constant 0 : i32
      %dma_start3A_333 = tpu.memref_slice %arg6[%dma_start3A_332, %multiple_of3A] : memref<16x1000000xf32, #tpu.memory_space<hbm>> -> memref<16x256xf32, #tpu.memory_space<hbm>>
      tpu.enqueue_dma source(%dma_start3A_333 : memref<16x256xf32, #tpu.memory_space<hbm>>) target(%dma_start3A_331 : memref<16x256xf32, #tpu.memory_space<vmem>>) target_semaphore(%dma_start3A_327 : memref<!tpu.dma_semaphore, #tpu.memory_space<semaphore_mem>>)
    } else {
    }
    %gt3A_37 = arith.constant 2 : i32
    %gt3A_38 = arith.cmpi sgt, %add3A_29, %gt3A_37 : i32
    %convert_element_type3A_39 = arith.extui %gt3A_38 : i1 to i32
    %cond3A_40 = arith.constant 0 : i32
    %cond3A_41 = arith.cmpi ne, %convert_element_type3A_39, %cond3A_40 : i32
    scf.if %cond3A_41 {
      %add3A_297 = arith.constant 4 : i32
      %add3A_298 = arith.addi %shift_right_arithmetic3A_4, %add3A_297 : i32
      %min3A = arith.constant 7810 : i32
      %min3A_299 = arith.minsi %add3A_298, %min3A : i32
      %mul3A_300 = arith.constant 128 : i32
      %mul3A_301 = arith.muli %min3A_299, %mul3A_300 : i32
      %multiple_of3A = tpu.assume_multiple %mul3A_301, 128 : i32
      %dma_start3A_302 = arith.constant 2 : i32
      %dma_start3A_303 = arith.constant 2 : i32
      %dma_start3A_304 = arith.constant 0 : i32
      %dma_start3A_305 = arith.constant 0 : i32
      %dma_start3A_306 = tpu.memref_slice %arg18[%dma_start3A_302, %dma_start3A_304, %dma_start3A_305] : memref<4x32x256xf32, #tpu.memory_space<vmem>> -> memref<1x32x256xf32, #tpu.memory_space<vmem>>
      %dma_start3A_307 = tpu.memref_squeeze %dma_start3A_306 : memref<1x32x256xf32, #tpu.memory_space<vmem>> -> memref<32x256xf32, #tpu.memory_space<vmem>>
      %dma_start3A_308 = arith.constant 0 : i32
      %dma_start3A_309 = tpu.memref_slice %arg8[%dma_start3A_308, %multiple_of3A] : memref<32x1000000xf32, #tpu.memory_space<hbm>> -> memref<32x256xf32, #tpu.memory_space<hbm>>
      %dma_start3A_310 = tpu.memref_slice %arg23[%dma_start3A_303] : memref<4x!tpu.dma_semaphore, #tpu.memory_space<semaphore_mem>> -> memref<1x!tpu.dma_semaphore, #tpu.memory_space<semaphore_mem>>
      %dma_start3A_311 = tpu.memref_squeeze %dma_start3A_310 : memref<1x!tpu.dma_semaphore, #tpu.memory_space<semaphore_mem>> -> memref<!tpu.dma_semaphore, #tpu.memory_space<semaphore_mem>>
      %dma_start3A_312 = arith.constant 0 : i32
      %dma_start3A_313 = arith.constant 0 : i32
      %dma_start3A_314 = tpu.memref_slice %arg18[%dma_start3A_302, %dma_start3A_312, %dma_start3A_313] : memref<4x32x256xf32, #tpu.memory_space<vmem>> -> memref<1x32x256xf32, #tpu.memory_space<vmem>>
      %dma_start3A_315 = tpu.memref_squeeze %dma_start3A_314 : memref<1x32x256xf32, #tpu.memory_space<vmem>> -> memref<32x256xf32, #tpu.memory_space<vmem>>
      %dma_start3A_316 = arith.constant 0 : i32
      %dma_start3A_317 = tpu.memref_slice %arg8[%dma_start3A_316, %multiple_of3A] : memref<32x1000000xf32, #tpu.memory_space<hbm>> -> memref<32x256xf32, #tpu.memory_space<hbm>>
      tpu.enqueue_dma source(%dma_start3A_317 : memref<32x256xf32, #tpu.memory_space<hbm>>) target(%dma_start3A_315 : memref<32x256xf32, #tpu.memory_space<vmem>>) target_semaphore(%dma_start3A_311 : memref<!tpu.dma_semaphore, #tpu.memory_space<semaphore_mem>>)
      %dma_start3A_318 = arith.constant 2 : i32
      %dma_start3A_319 = arith.constant 2 : i32
      %dma_start3A_320 = arith.constant 0 : i32
      %dma_start3A_321 = arith.constant 0 : i32
      %dma_start3A_322 = tpu.memref_slice %arg19[%dma_start3A_318, %dma_start3A_320, %dma_start3A_321] : memref<4x16x256xf32, #tpu.memory_space<vmem>> -> memref<1x16x256xf32, #tpu.memory_space<vmem>>
      %dma_start3A_323 = tpu.memref_squeeze %dma_start3A_322 : memref<1x16x256xf32, #tpu.memory_space<vmem>> -> memref<16x256xf32, #tpu.memory_space<vmem>>
      %dma_start3A_324 = arith.constant 0 : i32
      %dma_start3A_325 = tpu.memref_slice %arg6[%dma_start3A_324, %multiple_of3A] : memref<16x1000000xf32, #tpu.memory_space<hbm>> -> memref<16x256xf32, #tpu.memory_space<hbm>>
      %dma_start3A_326 = tpu.memref_slice %arg23[%dma_start3A_319] : memref<4x!tpu.dma_semaphore, #tpu.memory_space<semaphore_mem>> -> memref<1x!tpu.dma_semaphore, #tpu.memory_space<semaphore_mem>>
      %dma_start3A_327 = tpu.memref_squeeze %dma_start3A_326 : memref<1x!tpu.dma_semaphore, #tpu.memory_space<semaphore_mem>> -> memref<!tpu.dma_semaphore, #tpu.memory_space<semaphore_mem>>
      %dma_start3A_328 = arith.constant 0 : i32
      %dma_start3A_329 = arith.constant 0 : i32
      %dma_start3A_330 = tpu.memref_slice %arg19[%dma_start3A_318, %dma_start3A_328, %dma_start3A_329] : memref<4x16x256xf32, #tpu.memory_space<vmem>> -> memref<1x16x256xf32, #tpu.memory_space<vmem>>
      %dma_start3A_331 = tpu.memref_squeeze %dma_start3A_330 : memref<1x16x256xf32, #tpu.memory_space<vmem>> -> memref<16x256xf32, #tpu.memory_space<vmem>>
      %dma_start3A_332 = arith.constant 0 : i32
      %dma_start3A_333 = tpu.memref_slice %arg6[%dma_start3A_332, %multiple_of3A] : memref<16x1000000xf32, #tpu.memory_space<hbm>> -> memref<16x256xf32, #tpu.memory_space<hbm>>
      tpu.enqueue_dma source(%dma_start3A_333 : memref<16x256xf32, #tpu.memory_space<hbm>>) target(%dma_start3A_331 : memref<16x256xf32, #tpu.memory_space<vmem>>) target_semaphore(%dma_start3A_327 : memref<!tpu.dma_semaphore, #tpu.memory_space<semaphore_mem>>)
    } else {
    }
    %gt3A_42 = arith.constant 3 : i32
    %gt3A_43 = arith.cmpi sgt, %add3A_29, %gt3A_42 : i32
    %convert_element_type3A_44 = arith.extui %gt3A_43 : i1 to i32
    %cond3A_45 = arith.constant 0 : i32
    %cond3A_46 = arith.cmpi ne, %convert_element_type3A_44, %cond3A_45 : i32
    scf.if %cond3A_46 {
      %add3A_297 = arith.constant 6 : i32
      %add3A_298 = arith.addi %shift_right_arithmetic3A_4, %add3A_297 : i32
      %min3A = arith.constant 7810 : i32
      %min3A_299 = arith.minsi %add3A_298, %min3A : i32
      %mul3A_300 = arith.constant 128 : i32
      %mul3A_301 = arith.muli %min3A_299, %mul3A_300 : i32
      %multiple_of3A = tpu.assume_multiple %mul3A_301, 128 : i32
      %dma_start3A_302 = arith.constant 3 : i32
      %dma_start3A_303 = arith.constant 3 : i32
      %dma_start3A_304 = arith.constant 0 : i32
      %dma_start3A_305 = arith.constant 0 : i32
      %dma_start3A_306 = tpu.memref_slice %arg18[%dma_start3A_302, %dma_start3A_304, %dma_start3A_305] : memref<4x32x256xf32, #tpu.memory_space<vmem>> -> memref<1x32x256xf32, #tpu.memory_space<vmem>>
      %dma_start3A_307 = tpu.memref_squeeze %dma_start3A_306 : memref<1x32x256xf32, #tpu.memory_space<vmem>> -> memref<32x256xf32, #tpu.memory_space<vmem>>
      %dma_start3A_308 = arith.constant 0 : i32
      %dma_start3A_309 = tpu.memref_slice %arg8[%dma_start3A_308, %multiple_of3A] : memref<32x1000000xf32, #tpu.memory_space<hbm>> -> memref<32x256xf32, #tpu.memory_space<hbm>>
      %dma_start3A_310 = tpu.memref_slice %arg23[%dma_start3A_303] : memref<4x!tpu.dma_semaphore, #tpu.memory_space<semaphore_mem>> -> memref<1x!tpu.dma_semaphore, #tpu.memory_space<semaphore_mem>>
      %dma_start3A_311 = tpu.memref_squeeze %dma_start3A_310 : memref<1x!tpu.dma_semaphore, #tpu.memory_space<semaphore_mem>> -> memref<!tpu.dma_semaphore, #tpu.memory_space<semaphore_mem>>
      %dma_start3A_312 = arith.constant 0 : i32
      %dma_start3A_313 = arith.constant 0 : i32
      %dma_start3A_314 = tpu.memref_slice %arg18[%dma_start3A_302, %dma_start3A_312, %dma_start3A_313] : memref<4x32x256xf32, #tpu.memory_space<vmem>> -> memref<1x32x256xf32, #tpu.memory_space<vmem>>
      %dma_start3A_315 = tpu.memref_squeeze %dma_start3A_314 : memref<1x32x256xf32, #tpu.memory_space<vmem>> -> memref<32x256xf32, #tpu.memory_space<vmem>>
      %dma_start3A_316 = arith.constant 0 : i32
      %dma_start3A_317 = tpu.memref_slice %arg8[%dma_start3A_316, %multiple_of3A] : memref<32x1000000xf32, #tpu.memory_space<hbm>> -> memref<32x256xf32, #tpu.memory_space<hbm>>
      tpu.enqueue_dma source(%dma_start3A_317 : memref<32x256xf32, #tpu.memory_space<hbm>>) target(%dma_start3A_315 : memref<32x256xf32, #tpu.memory_space<vmem>>) target_semaphore(%dma_start3A_311 : memref<!tpu.dma_semaphore, #tpu.memory_space<semaphore_mem>>)
      %dma_start3A_318 = arith.constant 3 : i32
      %dma_start3A_319 = arith.constant 3 : i32
      %dma_start3A_320 = arith.constant 0 : i32
      %dma_start3A_321 = arith.constant 0 : i32
      %dma_start3A_322 = tpu.memref_slice %arg19[%dma_start3A_318, %dma_start3A_320, %dma_start3A_321] : memref<4x16x256xf32, #tpu.memory_space<vmem>> -> memref<1x16x256xf32, #tpu.memory_space<vmem>>
      %dma_start3A_323 = tpu.memref_squeeze %dma_start3A_322 : memref<1x16x256xf32, #tpu.memory_space<vmem>> -> memref<16x256xf32, #tpu.memory_space<vmem>>
      %dma_start3A_324 = arith.constant 0 : i32
      %dma_start3A_325 = tpu.memref_slice %arg6[%dma_start3A_324, %multiple_of3A] : memref<16x1000000xf32, #tpu.memory_space<hbm>> -> memref<16x256xf32, #tpu.memory_space<hbm>>
      %dma_start3A_326 = tpu.memref_slice %arg23[%dma_start3A_319] : memref<4x!tpu.dma_semaphore, #tpu.memory_space<semaphore_mem>> -> memref<1x!tpu.dma_semaphore, #tpu.memory_space<semaphore_mem>>
      %dma_start3A_327 = tpu.memref_squeeze %dma_start3A_326 : memref<1x!tpu.dma_semaphore, #tpu.memory_space<semaphore_mem>> -> memref<!tpu.dma_semaphore, #tpu.memory_space<semaphore_mem>>
      %dma_start3A_328 = arith.constant 0 : i32
      %dma_start3A_329 = arith.constant 0 : i32
      %dma_start3A_330 = tpu.memref_slice %arg19[%dma_start3A_318, %dma_start3A_328, %dma_start3A_329] : memref<4x16x256xf32, #tpu.memory_space<vmem>> -> memref<1x16x256xf32, #tpu.memory_space<vmem>>
      %dma_start3A_331 = tpu.memref_squeeze %dma_start3A_330 : memref<1x16x256xf32, #tpu.memory_space<vmem>> -> memref<16x256xf32, #tpu.memory_space<vmem>>
      %dma_start3A_332 = arith.constant 0 : i32
      %dma_start3A_333 = tpu.memref_slice %arg6[%dma_start3A_332, %multiple_of3A] : memref<16x1000000xf32, #tpu.memory_space<hbm>> -> memref<16x256xf32, #tpu.memory_space<hbm>>
      tpu.enqueue_dma source(%dma_start3A_333 : memref<16x256xf32, #tpu.memory_space<hbm>>) target(%dma_start3A_331 : memref<16x256xf32, #tpu.memory_space<vmem>>) target_semaphore(%dma_start3A_327 : memref<!tpu.dma_semaphore, #tpu.memory_space<semaphore_mem>>)
    } else {
    }
    %get3A_47 = arith.constant 0 : index
    %get3A_48 = tpu.vector_load %arg16[%get3A_47] {strides = array<i32>} : memref<544xi32, #tpu.memory_space<vmem>>, vector<16xi32>,
    %slice3A_49 = vector.extract_strided_slice %get3A_48 {offsets = [0], sizes = [1], strides = [1]} : vector<16xi32> to vector<1xi32>
    %squeeze3A_50 = vector.extract %slice3A_49[0] : i32 from vector<1xi32>
    %while3A = arith.constant 0 : i32
    %while3A_51 = arith.constant 0 : i32
    %while3A_52 = arith.subi %add3A_29, %while3A : i32
    %while3A_53 = arith.addi %while3A, %while3A_52 : i32
    %while3A_54 = arith.constant 1 : i32
    %while3A_55 = arith.divsi %while3A_52, %while3A_54 : i32
    %while3A_56 = arith.muli %while3A_55, %while3A_54 : i32
    %while3A_57 = arith.addi %while3A, %while3A_56 : i32
    %while3A_58 = arith.constant 1 : i32
    %while3A_59:2 = scf.for %while3A_297 = %while3A to %while3A_57 step %while3A_58 iter_args(%while3A_298 = %while3A_51, %while3A_299 = %squeeze3A_50) -> (i32, i32)  : i32 {
      %rem3A_300 = arith.constant 4 : i32
      %rem3A_301 = arith.remsi %while3A_297, %rem3A_300 : i32
      %dma_wait3A_302 = arith.constant 0 : i32
      %dma_wait3A_303 = arith.constant 0 : i32
      %dma_wait3A_304 = tpu.memref_slice %arg18[%rem3A_301, %dma_wait3A_302, %dma_wait3A_303] : memref<4x32x256xf32, #tpu.memory_space<vmem>> -> memref<1x32x256xf32, #tpu.memory_space<vmem>>
      %dma_wait3A_305 = tpu.memref_squeeze %dma_wait3A_304 : memref<1x32x256xf32, #tpu.memory_space<vmem>> -> memref<32x256xf32, #tpu.memory_space<vmem>>
      %dma_wait3A_306 = arith.constant 0 : i32
      %dma_wait3A_307 = arith.constant 0 : i32
      %dma_wait3A_308 = tpu.memref_slice %arg8[%dma_wait3A_306, %dma_wait3A_307] : memref<32x1000000xf32, #tpu.memory_space<hbm>> -> memref<32x256xf32, #tpu.memory_space<hbm>>
      %dma_wait3A_309 = tpu.memref_slice %arg23[%rem3A_301] : memref<4x!tpu.dma_semaphore, #tpu.memory_space<semaphore_mem>> -> memref<1x!tpu.dma_semaphore, #tpu.memory_space<semaphore_mem>>
      %dma_wait3A_310 = tpu.memref_squeeze %dma_wait3A_309 : memref<1x!tpu.dma_semaphore, #tpu.memory_space<semaphore_mem>> -> memref<!tpu.dma_semaphore, #tpu.memory_space<semaphore_mem>>
      %dma_wait3A_311 = arith.constant 0 : i32
      %dma_wait3A_312 = arith.constant 0 : i32
      %dma_wait3A_313 = tpu.memref_slice %arg18[%rem3A_301, %dma_wait3A_311, %dma_wait3A_312] : memref<4x32x256xf32, #tpu.memory_space<vmem>> -> memref<1x32x256xf32, #tpu.memory_space<vmem>>
      %dma_wait3A_314 = tpu.memref_squeeze %dma_wait3A_313 : memref<1x32x256xf32, #tpu.memory_space<vmem>> -> memref<32x256xf32, #tpu.memory_space<vmem>>
      %dma_wait3A_315 = arith.constant 0 : i32
      %dma_wait3A_316 = arith.constant 0 : i32
      %dma_wait3A_317 = tpu.memref_slice %arg8[%dma_wait3A_315, %dma_wait3A_316] : memref<32x1000000xf32, #tpu.memory_space<hbm>> -> memref<32x256xf32, #tpu.memory_space<hbm>>
      tpu.wait_dma2 semaphore(%dma_wait3A_310 : memref<!tpu.dma_semaphore, #tpu.memory_space<semaphore_mem>>) src(%dma_wait3A_317 : memref<32x256xf32, #tpu.memory_space<hbm>>) dst(%dma_wait3A_314 : memref<32x256xf32, #tpu.memory_space<vmem>>)
      %dma_wait3A_318 = arith.constant 0 : i32
      %dma_wait3A_319 = arith.constant 0 : i32
      %dma_wait3A_320 = tpu.memref_slice %arg19[%rem3A_301, %dma_wait3A_318, %dma_wait3A_319] : memref<4x16x256xf32, #tpu.memory_space<vmem>> -> memref<1x16x256xf32, #tpu.memory_space<vmem>>
      %dma_wait3A_321 = tpu.memref_squeeze %dma_wait3A_320 : memref<1x16x256xf32, #tpu.memory_space<vmem>> -> memref<16x256xf32, #tpu.memory_space<vmem>>
      %dma_wait3A_322 = arith.constant 0 : i32
      %dma_wait3A_323 = arith.constant 0 : i32
      %dma_wait3A_324 = tpu.memref_slice %arg6[%dma_wait3A_322, %dma_wait3A_323] : memref<16x1000000xf32, #tpu.memory_space<hbm>> -> memref<16x256xf32, #tpu.memory_space<hbm>>
      %dma_wait3A_325 = tpu.memref_slice %arg23[%rem3A_301] : memref<4x!tpu.dma_semaphore, #tpu.memory_space<semaphore_mem>> -> memref<1x!tpu.dma_semaphore, #tpu.memory_space<semaphore_mem>>
      %dma_wait3A_326 = tpu.memref_squeeze %dma_wait3A_325 : memref<1x!tpu.dma_semaphore, #tpu.memory_space<semaphore_mem>> -> memref<!tpu.dma_semaphore, #tpu.memory_space<semaphore_mem>>
      %dma_wait3A_327 = arith.constant 0 : i32
      %dma_wait3A_328 = arith.constant 0 : i32
      %dma_wait3A_329 = tpu.memref_slice %arg19[%rem3A_301, %dma_wait3A_327, %dma_wait3A_328] : memref<4x16x256xf32, #tpu.memory_space<vmem>> -> memref<1x16x256xf32, #tpu.memory_space<vmem>>
      %dma_wait3A_330 = tpu.memref_squeeze %dma_wait3A_329 : memref<1x16x256xf32, #tpu.memory_space<vmem>> -> memref<16x256xf32, #tpu.memory_space<vmem>>
      %dma_wait3A_331 = arith.constant 0 : i32
      %dma_wait3A_332 = arith.constant 0 : i32
      %dma_wait3A_333 = tpu.memref_slice %arg6[%dma_wait3A_331, %dma_wait3A_332] : memref<16x1000000xf32, #tpu.memory_space<hbm>> -> memref<16x256xf32, #tpu.memory_space<hbm>>
      tpu.wait_dma2 semaphore(%dma_wait3A_326 : memref<!tpu.dma_semaphore, #tpu.memory_space<semaphore_mem>>) src(%dma_wait3A_333 : memref<16x256xf32, #tpu.memory_space<hbm>>) dst(%dma_wait3A_330 : memref<16x256xf32, #tpu.memory_space<vmem>>)
      %add3A_334 = arith.constant 1 : i32
      %add3A_335 = arith.addi %while3A_297, %add3A_334 : i32
      %mul3A_336 = arith.constant 2 : i32
      %mul3A_337 = arith.muli %mul3A_336, %add3A_335 : i32
      %add3A_338 = arith.addi %shift_right_arithmetic3A_4, %mul3A_337 : i32
      %mul3A_339 = arith.constant 128 : i32
      %mul3A_340 = arith.muli %add3A_338, %mul3A_339 : i32
      %mul3A_341 = arith.constant 2 : i32
      %mul3A_342 = arith.muli %mul3A_341, %while3A_297 : i32
      %add3A_343 = arith.addi %shift_right_arithmetic3A_4, %mul3A_342 : i32
      %min3A = arith.constant 7810 : i32
      %min3A_344 = arith.minsi %add3A_343, %min3A : i32
      %mul3A_345 = arith.constant 128 : i32
      %mul3A_346 = arith.muli %min3A_344, %mul3A_345 : i32
      %broadcast_in_dim3A = vector.broadcast %rem3A_301 : i32 to vector<16xi32>
      %while3A_347:2 = scf.while (%while3A_353 = %while3A_298, %while3A_354 = %while3A_299) : (i32, i32) -> (i32, i32) {
        %lt3A_355 = arith.constant 512 : i32
        %lt3A_356 = arith.cmpi slt, %while3A_353, %lt3A_355 : i32
        %lt3A_357 = arith.cmpi slt, %while3A_354, %mul3A_340 : i32
        %and3A_358 = arith.andi %lt3A_356, %lt3A_357 : i1
        scf.condition(%and3A_358) %while3A_353, %while3A_354 : i32, i32
      } do {
      ^bb0(%while3A_353: i32, %while3A_354: i32):
        %broadcast_in_dim3A_355 = vector.broadcast %while3A_354 : i32 to vector<16xi32>
        %sub3A_356 = vector.broadcast %mul3A_346 : i32 to vector<16xi32>
        %sub3A_357 = arith.subi %broadcast_in_dim3A_355, %sub3A_356 : vector<16xi32>
        %min3A_358 = arith.constant 255 : i32
        %min3A_359 = vector.broadcast %min3A_358 : i32 to vector<16xi32>
        %min3A_360 = arith.minsi %sub3A_357, %min3A_359 : vector<16xi32>
        %add3A_361 = arith.constant 0 : i32
        %add3A_362 = vector.broadcast %add3A_361 : i32 to vector<16xi32>
        %add3A_363 = arith.addi %iota3A, %add3A_362 : vector<16xi32>
        %gather3A = tpu.vector_load_idx %arg18[%broadcast_in_dim3A, %add3A_363, %min3A_360] : memref<4x32x256xf32, #tpu.memory_space<vmem>>[vector<16xi32>, vector<16xi32>, vector<16xi32>], vector<16xf32>,
        %swap3A = arith.index_cast %while3A_353 : i32 to index
        %swap3A_364 = arith.constant 0 : index
        %swap3A_365 = tpu.vector_load %arg20[%swap3A, %swap3A_364] {strides = array<i32>} : memref<512x128xf32, #tpu.memory_space<vmem>>, vector<16xf32>,
        tpu.vector_store %arg20[%swap3A, %swap3A_364], %gather3A {strides = array<i32>} : memref<512x128xf32, #tpu.memory_space<vmem>>, vector<16xf32>,
        %add3A_366 = arith.constant 16 : i32
        %add3A_367 = vector.broadcast %add3A_366 : i32 to vector<16xi32>
        %add3A_368 = arith.addi %iota3A, %add3A_367 : vector<16xi32>
        %gather3A_369 = tpu.vector_load_idx %arg18[%broadcast_in_dim3A, %add3A_368, %min3A_360] : memref<4x32x256xf32, #tpu.memory_space<vmem>>[vector<16xi32>, vector<16xi32>, vector<16xi32>], vector<16xf32>,
        %swap3A_370 = arith.index_cast %while3A_353 : i32 to index
        %swap3A_371 = arith.constant 16 : index
        %swap3A_372 = tpu.vector_load %arg20[%swap3A_370, %swap3A_371] {strides = array<i32>} : memref<512x128xf32, #tpu.memory_space<vmem>>, vector<16xf32>,
        tpu.vector_store %arg20[%swap3A_370, %swap3A_371], %gather3A_369 {strides = array<i32>} : memref<512x128xf32, #tpu.memory_space<vmem>>, vector<16xf32>,
        %gather3A_373 = tpu.vector_load_idx %arg19[%broadcast_in_dim3A, %iota3A, %min3A_360] : memref<4x16x256xf32, #tpu.memory_space<vmem>>[vector<16xi32>, vector<16xi32>, vector<16xi32>], vector<16xf32>,
        %swap3A_374 = arith.index_cast %while3A_353 : i32 to index
        %swap3A_375 = arith.constant 32 : index
        %swap3A_376 = tpu.vector_load %arg20[%swap3A_374, %swap3A_375] {strides = array<i32>} : memref<512x128xf32, #tpu.memory_space<vmem>>, vector<16xf32>,
        tpu.vector_store %arg20[%swap3A_374, %swap3A_375], %gather3A_373 {strides = array<i32>} : memref<512x128xf32, #tpu.memory_space<vmem>>, vector<16xf32>,
        %ge3A = arith.constant 999936 : i32
        %ge3A_377 = arith.cmpi sge, %while3A_354, %ge3A : i32
        %convert_element_type3A_378 = arith.extui %ge3A_377 : i1 to i32
        %cond3A_379 = arith.constant 0 : i32
        %cond3A_380 = arith.cmpi ne, %convert_element_type3A_378, %cond3A_379 : i32
        scf.if %cond3A_380 {
          %sub3A_389 = arith.constant 999936 : i32
          %sub3A_390 = vector.broadcast %sub3A_389 : i32 to vector<16xi32>
          %sub3A_391 = arith.subi %broadcast_in_dim3A_355, %sub3A_390 : vector<16xi32>
          %add3A_392 = arith.constant 0 : i32
          %add3A_393 = vector.broadcast %add3A_392 : i32 to vector<16xi32>
          %add3A_394 = arith.addi %iota3A, %add3A_393 : vector<16xi32>
          %gather3A_395 = tpu.vector_load_idx %arg21[%add3A_394, %sub3A_391] : memref<32x64xf32, #tpu.memory_space<vmem>>[vector<16xi32>, vector<16xi32>], vector<16xf32>,
          %swap3A_396 = arith.index_cast %while3A_353 : i32 to index
          %swap3A_397 = arith.constant 0 : index
          %swap3A_398 = tpu.vector_load %arg20[%swap3A_396, %swap3A_397] {strides = array<i32>} : memref<512x128xf32, #tpu.memory_space<vmem>>, vector<16xf32>,
          tpu.vector_store %arg20[%swap3A_396, %swap3A_397], %gather3A_395 {strides = array<i32>} : memref<512x128xf32, #tpu.memory_space<vmem>>, vector<16xf32>,
          %add3A_399 = arith.constant 16 : i32
          %add3A_400 = vector.broadcast %add3A_399 : i32 to vector<16xi32>
          %add3A_401 = arith.addi %iota3A, %add3A_400 : vector<16xi32>
          %gather3A_402 = tpu.vector_load_idx %arg21[%add3A_401, %sub3A_391] : memref<32x64xf32, #tpu.memory_space<vmem>>[vector<16xi32>, vector<16xi32>], vector<16xf32>,
          %swap3A_403 = arith.index_cast %while3A_353 : i32 to index
          %swap3A_404 = arith.constant 16 : index
          %swap3A_405 = tpu.vector_load %arg20[%swap3A_403, %swap3A_404] {strides = array<i32>} : memref<512x128xf32, #tpu.memory_space<vmem>>, vector<16xf32>,
          tpu.vector_store %arg20[%swap3A_403, %swap3A_404], %gather3A_402 {strides = array<i32>} : memref<512x128xf32, #tpu.memory_space<vmem>>, vector<16xf32>,
          %gather3A_406 = tpu.vector_load_idx %arg22[%iota3A, %sub3A_391] : memref<16x64xf32, #tpu.memory_space<vmem>>[vector<16xi32>, vector<16xi32>], vector<16xf32>,
          %swap3A_407 = arith.index_cast %while3A_353 : i32 to index
          %swap3A_408 = arith.constant 32 : index
          %swap3A_409 = tpu.vector_load %arg20[%swap3A_407, %swap3A_408] {strides = array<i32>} : memref<512x128xf32, #tpu.memory_space<vmem>>, vector<16xf32>,
          tpu.vector_store %arg20[%swap3A_407, %swap3A_408], %gather3A_406 {strides = array<i32>} : memref<512x128xf32, #tpu.memory_space<vmem>>, vector<16xf32>,
        } else {
        }
        %add3A_381 = arith.constant 1 : i32
        %add3A_382 = arith.addi %while3A_353, %add3A_381 : i32
        %min3A_383 = arith.constant 511 : i32
        %min3A_384 = arith.minsi %add3A_382, %min3A_383 : i32
        %get3A_385 = arith.index_cast %min3A_384 : i32 to index
        %get3A_386 = tpu.vector_load %arg16[%get3A_385] {strides = array<i32>} : memref<544xi32, #tpu.memory_space<vmem>>, vector<16xi32>,
        %slice3A_387 = vector.extract_strided_slice %get3A_386 {offsets = [0], sizes = [1], strides = [1]} : vector<16xi32> to vector<1xi32>
        %squeeze3A_388 = vector.extract %slice3A_387[0] : i32 from vector<1xi32>
        scf.yield %add3A_382, %squeeze3A_388 : i32, i32
      }
      %add3A_348 = arith.constant 4 : i32
      %add3A_349 = arith.addi %while3A_297, %add3A_348 : i32
      %lt3A = arith.cmpi slt, %add3A_349, %add3A_29 : i32
      %convert_element_type3A_350 = arith.extui %lt3A : i1 to i32
      %cond3A_351 = arith.constant 0 : i32
      %cond3A_352 = arith.cmpi ne, %convert_element_type3A_350, %cond3A_351 : i32
      scf.if %cond3A_352 {
        %add3A_353 = arith.constant 4 : i32
        %add3A_354 = arith.addi %while3A_297, %add3A_353 : i32
        %mul3A_355 = arith.constant 2 : i32
        %mul3A_356 = arith.muli %mul3A_355, %add3A_354 : i32
        %add3A_357 = arith.addi %shift_right_arithmetic3A_4, %mul3A_356 : i32
        %min3A_358 = arith.constant 7810 : i32
        %min3A_359 = arith.minsi %add3A_357, %min3A_358 : i32
        %mul3A_360 = arith.constant 128 : i32
        %mul3A_361 = arith.muli %min3A_359, %mul3A_360 : i32
        %multiple_of3A = tpu.assume_multiple %mul3A_361, 128 : i32
        %dma_start3A_362 = arith.constant 0 : i32
        %dma_start3A_363 = arith.constant 0 : i32
        %dma_start3A_364 = tpu.memref_slice %arg18[%rem3A_301, %dma_start3A_362, %dma_start3A_363] : memref<4x32x256xf32, #tpu.memory_space<vmem>> -> memref<1x32x256xf32, #tpu.memory_space<vmem>>
        %dma_start3A_365 = tpu.memref_squeeze %dma_start3A_364 : memref<1x32x256xf32, #tpu.memory_space<vmem>> -> memref<32x256xf32, #tpu.memory_space<vmem>>
        %dma_start3A_366 = arith.constant 0 : i32
        %dma_start3A_367 = tpu.memref_slice %arg8[%dma_start3A_366, %multiple_of3A] : memref<32x1000000xf32, #tpu.memory_space<hbm>> -> memref<32x256xf32, #tpu.memory_space<hbm>>
        %dma_start3A_368 = tpu.memref_slice %arg23[%rem3A_301] : memref<4x!tpu.dma_semaphore, #tpu.memory_space<semaphore_mem>> -> memref<1x!tpu.dma_semaphore, #tpu.memory_space<semaphore_mem>>
        %dma_start3A_369 = tpu.memref_squeeze %dma_start3A_368 : memref<1x!tpu.dma_semaphore, #tpu.memory_space<semaphore_mem>> -> memref<!tpu.dma_semaphore, #tpu.memory_space<semaphore_mem>>
        %dma_start3A_370 = arith.constant 0 : i32
        %dma_start3A_371 = arith.constant 0 : i32
        %dma_start3A_372 = tpu.memref_slice %arg18[%rem3A_301, %dma_start3A_370, %dma_start3A_371] : memref<4x32x256xf32, #tpu.memory_space<vmem>> -> memref<1x32x256xf32, #tpu.memory_space<vmem>>
        %dma_start3A_373 = tpu.memref_squeeze %dma_start3A_372 : memref<1x32x256xf32, #tpu.memory_space<vmem>> -> memref<32x256xf32, #tpu.memory_space<vmem>>
        %dma_start3A_374 = arith.constant 0 : i32
        %dma_start3A_375 = tpu.memref_slice %arg8[%dma_start3A_374, %multiple_of3A] : memref<32x1000000xf32, #tpu.memory_space<hbm>> -> memref<32x256xf32, #tpu.memory_space<hbm>>
        tpu.enqueue_dma source(%dma_start3A_375 : memref<32x256xf32, #tpu.memory_space<hbm>>) target(%dma_start3A_373 : memref<32x256xf32, #tpu.memory_space<vmem>>) target_semaphore(%dma_start3A_369 : memref<!tpu.dma_semaphore, #tpu.memory_space<semaphore_mem>>)
        %dma_start3A_376 = arith.constant 0 : i32
        %dma_start3A_377 = arith.constant 0 : i32
        %dma_start3A_378 = tpu.memref_slice %arg19[%rem3A_301, %dma_start3A_376, %dma_start3A_377] : memref<4x16x256xf32, #tpu.memory_space<vmem>> -> memref<1x16x256xf32, #tpu.memory_space<vmem>>
        %dma_start3A_379 = tpu.memref_squeeze %dma_start3A_378 : memref<1x16x256xf32, #tpu.memory_space<vmem>> -> memref<16x256xf32, #tpu.memory_space<vmem>>
        %dma_start3A_380 = arith.constant 0 : i32
        %dma_start3A_381 = tpu.memref_slice %arg6[%dma_start3A_380, %multiple_of3A] : memref<16x1000000xf32, #tpu.memory_space<hbm>> -> memref<16x256xf32, #tpu.memory_space<hbm>>
        %dma_start3A_382 = tpu.memref_slice %arg23[%rem3A_301] : memref<4x!tpu.dma_semaphore, #tpu.memory_space<semaphore_mem>> -> memref<1x!tpu.dma_semaphore, #tpu.memory_space<semaphore_mem>>
        %dma_start3A_383 = tpu.memref_squeeze %dma_start3A_382 : memref<1x!tpu.dma_semaphore, #tpu.memory_space<semaphore_mem>> -> memref<!tpu.dma_semaphore, #tpu.memory_space<semaphore_mem>>
        %dma_start3A_384 = arith.constant 0 : i32
        %dma_start3A_385 = arith.constant 0 : i32
        %dma_start3A_386 = tpu.memref_slice %arg19[%rem3A_301, %dma_start3A_384, %dma_start3A_385] : memref<4x16x256xf32, #tpu.memory_space<vmem>> -> memref<1x16x256xf32, #tpu.memory_space<vmem>>
        %dma_start3A_387 = tpu.memref_squeeze %dma_start3A_386 : memref<1x16x256xf32, #tpu.memory_space<vmem>> -> memref<16x256xf32, #tpu.memory_space<vmem>>
        %dma_start3A_388 = arith.constant 0 : i32
        %dma_start3A_389 = tpu.memref_slice %arg6[%dma_start3A_388, %multiple_of3A] : memref<16x1000000xf32, #tpu.memory_space<hbm>> -> memref<16x256xf32, #tpu.memory_space<hbm>>
        tpu.enqueue_dma source(%dma_start3A_389 : memref<16x256xf32, #tpu.memory_space<hbm>>) target(%dma_start3A_387 : memref<16x256xf32, #tpu.memory_space<vmem>>) target_semaphore(%dma_start3A_383 : memref<!tpu.dma_semaphore, #tpu.memory_space<semaphore_mem>>)
      } else {
      }
      scf.yield %while3A_347#0, %while3A_347#1 : i32, i32
    }
    %while3A_60 = arith.constant 1 : i32
    %while3A_61:2 = scf.for %while3A_297 = %while3A_57 to %while3A_53 step %while3A_60 iter_args(%while3A_298 = %while3A_59#0, %while3A_299 = %while3A_59#1) -> (i32, i32)  : i32 {
      %rem3A_300 = arith.constant 4 : i32
      %rem3A_301 = arith.remsi %while3A_297, %rem3A_300 : i32
      %dma_wait3A_302 = arith.constant 0 : i32
      %dma_wait3A_303 = arith.constant 0 : i32
      %dma_wait3A_304 = tpu.memref_slice %arg18[%rem3A_301, %dma_wait3A_302, %dma_wait3A_303] : memref<4x32x256xf32, #tpu.memory_space<vmem>> -> memref<1x32x256xf32, #tpu.memory_space<vmem>>
      %dma_wait3A_305 = tpu.memref_squeeze %dma_wait3A_304 : memref<1x32x256xf32, #tpu.memory_space<vmem>> -> memref<32x256xf32, #tpu.memory_space<vmem>>
      %dma_wait3A_306 = arith.constant 0 : i32
      %dma_wait3A_307 = arith.constant 0 : i32
      %dma_wait3A_308 = tpu.memref_slice %arg8[%dma_wait3A_306, %dma_wait3A_307] : memref<32x1000000xf32, #tpu.memory_space<hbm>> -> memref<32x256xf32, #tpu.memory_space<hbm>>
      %dma_wait3A_309 = tpu.memref_slice %arg23[%rem3A_301] : memref<4x!tpu.dma_semaphore, #tpu.memory_space<semaphore_mem>> -> memref<1x!tpu.dma_semaphore, #tpu.memory_space<semaphore_mem>>
      %dma_wait3A_310 = tpu.memref_squeeze %dma_wait3A_309 : memref<1x!tpu.dma_semaphore, #tpu.memory_space<semaphore_mem>> -> memref<!tpu.dma_semaphore, #tpu.memory_space<semaphore_mem>>
      %dma_wait3A_311 = arith.constant 0 : i32
      %dma_wait3A_312 = arith.constant 0 : i32
      %dma_wait3A_313 = tpu.memref_slice %arg18[%rem3A_301, %dma_wait3A_311, %dma_wait3A_312] : memref<4x32x256xf32, #tpu.memory_space<vmem>> -> memref<1x32x256xf32, #tpu.memory_space<vmem>>
      %dma_wait3A_314 = tpu.memref_squeeze %dma_wait3A_313 : memref<1x32x256xf32, #tpu.memory_space<vmem>> -> memref<32x256xf32, #tpu.memory_space<vmem>>
      %dma_wait3A_315 = arith.constant 0 : i32
      %dma_wait3A_316 = arith.constant 0 : i32
      %dma_wait3A_317 = tpu.memref_slice %arg8[%dma_wait3A_315, %dma_wait3A_316] : memref<32x1000000xf32, #tpu.memory_space<hbm>> -> memref<32x256xf32, #tpu.memory_space<hbm>>
      tpu.wait_dma2 semaphore(%dma_wait3A_310 : memref<!tpu.dma_semaphore, #tpu.memory_space<semaphore_mem>>) src(%dma_wait3A_317 : memref<32x256xf32, #tpu.memory_space<hbm>>) dst(%dma_wait3A_314 : memref<32x256xf32, #tpu.memory_space<vmem>>)
      %dma_wait3A_318 = arith.constant 0 : i32
      %dma_wait3A_319 = arith.constant 0 : i32
      %dma_wait3A_320 = tpu.memref_slice %arg19[%rem3A_301, %dma_wait3A_318, %dma_wait3A_319] : memref<4x16x256xf32, #tpu.memory_space<vmem>> -> memref<1x16x256xf32, #tpu.memory_space<vmem>>
      %dma_wait3A_321 = tpu.memref_squeeze %dma_wait3A_320 : memref<1x16x256xf32, #tpu.memory_space<vmem>> -> memref<16x256xf32, #tpu.memory_space<vmem>>
      %dma_wait3A_322 = arith.constant 0 : i32
      %dma_wait3A_323 = arith.constant 0 : i32
      %dma_wait3A_324 = tpu.memref_slice %arg6[%dma_wait3A_322, %dma_wait3A_323] : memref<16x1000000xf32, #tpu.memory_space<hbm>> -> memref<16x256xf32, #tpu.memory_space<hbm>>
      %dma_wait3A_325 = tpu.memref_slice %arg23[%rem3A_301] : memref<4x!tpu.dma_semaphore, #tpu.memory_space<semaphore_mem>> -> memref<1x!tpu.dma_semaphore, #tpu.memory_space<semaphore_mem>>
      %dma_wait3A_326 = tpu.memref_squeeze %dma_wait3A_325 : memref<1x!tpu.dma_semaphore, #tpu.memory_space<semaphore_mem>> -> memref<!tpu.dma_semaphore, #tpu.memory_space<semaphore_mem>>
      %dma_wait3A_327 = arith.constant 0 : i32
      %dma_wait3A_328 = arith.constant 0 : i32
      %dma_wait3A_329 = tpu.memref_slice %arg19[%rem3A_301, %dma_wait3A_327, %dma_wait3A_328] : memref<4x16x256xf32, #tpu.memory_space<vmem>> -> memref<1x16x256xf32, #tpu.memory_space<vmem>>
      %dma_wait3A_330 = tpu.memref_squeeze %dma_wait3A_329 : memref<1x16x256xf32, #tpu.memory_space<vmem>> -> memref<16x256xf32, #tpu.memory_space<vmem>>
      %dma_wait3A_331 = arith.constant 0 : i32
      %dma_wait3A_332 = arith.constant 0 : i32
      %dma_wait3A_333 = tpu.memref_slice %arg6[%dma_wait3A_331, %dma_wait3A_332] : memref<16x1000000xf32, #tpu.memory_space<hbm>> -> memref<16x256xf32, #tpu.memory_space<hbm>>
      tpu.wait_dma2 semaphore(%dma_wait3A_326 : memref<!tpu.dma_semaphore, #tpu.memory_space<semaphore_mem>>) src(%dma_wait3A_333 : memref<16x256xf32, #tpu.memory_space<hbm>>) dst(%dma_wait3A_330 : memref<16x256xf32, #tpu.memory_space<vmem>>)
      %add3A_334 = arith.constant 1 : i32
      %add3A_335 = arith.addi %while3A_297, %add3A_334 : i32
      %mul3A_336 = arith.constant 2 : i32
      %mul3A_337 = arith.muli %mul3A_336, %add3A_335 : i32
      %add3A_338 = arith.addi %shift_right_arithmetic3A_4, %mul3A_337 : i32
      %mul3A_339 = arith.constant 128 : i32
      %mul3A_340 = arith.muli %add3A_338, %mul3A_339 : i32
      %mul3A_341 = arith.constant 2 : i32
      %mul3A_342 = arith.muli %mul3A_341, %while3A_297 : i32
      %add3A_343 = arith.addi %shift_right_arithmetic3A_4, %mul3A_342 : i32
      %min3A = arith.constant 7810 : i32
      %min3A_344 = arith.minsi %add3A_343, %min3A : i32
      %mul3A_345 = arith.constant 128 : i32
      %mul3A_346 = arith.muli %min3A_344, %mul3A_345 : i32
      %broadcast_in_dim3A = vector.broadcast %rem3A_301 : i32 to vector<16xi32>
      %while3A_347:2 = scf.while (%while3A_353 = %while3A_298, %while3A_354 = %while3A_299) : (i32, i32) -> (i32, i32) {
        %lt3A_355 = arith.constant 512 : i32
        %lt3A_356 = arith.cmpi slt, %while3A_353, %lt3A_355 : i32
        %lt3A_357 = arith.cmpi slt, %while3A_354, %mul3A_340 : i32
        %and3A_358 = arith.andi %lt3A_356, %lt3A_357 : i1
        scf.condition(%and3A_358) %while3A_353, %while3A_354 : i32, i32
      } do {
      ^bb0(%while3A_353: i32, %while3A_354: i32):
        %broadcast_in_dim3A_355 = vector.broadcast %while3A_354 : i32 to vector<16xi32>
        %sub3A_356 = vector.broadcast %mul3A_346 : i32 to vector<16xi32>
        %sub3A_357 = arith.subi %broadcast_in_dim3A_355, %sub3A_356 : vector<16xi32>
        %min3A_358 = arith.constant 255 : i32
        %min3A_359 = vector.broadcast %min3A_358 : i32 to vector<16xi32>
        %min3A_360 = arith.minsi %sub3A_357, %min3A_359 : vector<16xi32>
        %add3A_361 = arith.constant 0 : i32
        %add3A_362 = vector.broadcast %add3A_361 : i32 to vector<16xi32>
        %add3A_363 = arith.addi %iota3A, %add3A_362 : vector<16xi32>
        %gather3A = tpu.vector_load_idx %arg18[%broadcast_in_dim3A, %add3A_363, %min3A_360] : memref<4x32x256xf32, #tpu.memory_space<vmem>>[vector<16xi32>, vector<16xi32>, vector<16xi32>], vector<16xf32>,
        %swap3A = arith.index_cast %while3A_353 : i32 to index
        %swap3A_364 = arith.constant 0 : index
        %swap3A_365 = tpu.vector_load %arg20[%swap3A, %swap3A_364] {strides = array<i32>} : memref<512x128xf32, #tpu.memory_space<vmem>>, vector<16xf32>,
        tpu.vector_store %arg20[%swap3A, %swap3A_364], %gather3A {strides = array<i32>} : memref<512x128xf32, #tpu.memory_space<vmem>>, vector<16xf32>,
        %add3A_366 = arith.constant 16 : i32
        %add3A_367 = vector.broadcast %add3A_366 : i32 to vector<16xi32>
        %add3A_368 = arith.addi %iota3A, %add3A_367 : vector<16xi32>
        %gather3A_369 = tpu.vector_load_idx %arg18[%broadcast_in_dim3A, %add3A_368, %min3A_360] : memref<4x32x256xf32, #tpu.memory_space<vmem>>[vector<16xi32>, vector<16xi32>, vector<16xi32>], vector<16xf32>,
        %swap3A_370 = arith.index_cast %while3A_353 : i32 to index
        %swap3A_371 = arith.constant 16 : index
        %swap3A_372 = tpu.vector_load %arg20[%swap3A_370, %swap3A_371] {strides = array<i32>} : memref<512x128xf32, #tpu.memory_space<vmem>>, vector<16xf32>,
        tpu.vector_store %arg20[%swap3A_370, %swap3A_371], %gather3A_369 {strides = array<i32>} : memref<512x128xf32, #tpu.memory_space<vmem>>, vector<16xf32>,
        %gather3A_373 = tpu.vector_load_idx %arg19[%broadcast_in_dim3A, %iota3A, %min3A_360] : memref<4x16x256xf32, #tpu.memory_space<vmem>>[vector<16xi32>, vector<16xi32>, vector<16xi32>], vector<16xf32>,
        %swap3A_374 = arith.index_cast %while3A_353 : i32 to index
        %swap3A_375 = arith.constant 32 : index
        %swap3A_376 = tpu.vector_load %arg20[%swap3A_374, %swap3A_375] {strides = array<i32>} : memref<512x128xf32, #tpu.memory_space<vmem>>, vector<16xf32>,
        tpu.vector_store %arg20[%swap3A_374, %swap3A_375], %gather3A_373 {strides = array<i32>} : memref<512x128xf32, #tpu.memory_space<vmem>>, vector<16xf32>,
        %ge3A = arith.constant 999936 : i32
        %ge3A_377 = arith.cmpi sge, %while3A_354, %ge3A : i32
        %convert_element_type3A_378 = arith.extui %ge3A_377 : i1 to i32
        %cond3A_379 = arith.constant 0 : i32
        %cond3A_380 = arith.cmpi ne, %convert_element_type3A_378, %cond3A_379 : i32
        scf.if %cond3A_380 {
          %sub3A_389 = arith.constant 999936 : i32
          %sub3A_390 = vector.broadcast %sub3A_389 : i32 to vector<16xi32>
          %sub3A_391 = arith.subi %broadcast_in_dim3A_355, %sub3A_390 : vector<16xi32>
          %add3A_392 = arith.constant 0 : i32
          %add3A_393 = vector.broadcast %add3A_392 : i32 to vector<16xi32>
          %add3A_394 = arith.addi %iota3A, %add3A_393 : vector<16xi32>
          %gather3A_395 = tpu.vector_load_idx %arg21[%add3A_394, %sub3A_391] : memref<32x64xf32, #tpu.memory_space<vmem>>[vector<16xi32>, vector<16xi32>], vector<16xf32>,
          %swap3A_396 = arith.index_cast %while3A_353 : i32 to index
          %swap3A_397 = arith.constant 0 : index
          %swap3A_398 = tpu.vector_load %arg20[%swap3A_396, %swap3A_397] {strides = array<i32>} : memref<512x128xf32, #tpu.memory_space<vmem>>, vector<16xf32>,
          tpu.vector_store %arg20[%swap3A_396, %swap3A_397], %gather3A_395 {strides = array<i32>} : memref<512x128xf32, #tpu.memory_space<vmem>>, vector<16xf32>,
          %add3A_399 = arith.constant 16 : i32
          %add3A_400 = vector.broadcast %add3A_399 : i32 to vector<16xi32>
          %add3A_401 = arith.addi %iota3A, %add3A_400 : vector<16xi32>
          %gather3A_402 = tpu.vector_load_idx %arg21[%add3A_401, %sub3A_391] : memref<32x64xf32, #tpu.memory_space<vmem>>[vector<16xi32>, vector<16xi32>], vector<16xf32>,
          %swap3A_403 = arith.index_cast %while3A_353 : i32 to index
          %swap3A_404 = arith.constant 16 : index
          %swap3A_405 = tpu.vector_load %arg20[%swap3A_403, %swap3A_404] {strides = array<i32>} : memref<512x128xf32, #tpu.memory_space<vmem>>, vector<16xf32>,
          tpu.vector_store %arg20[%swap3A_403, %swap3A_404], %gather3A_402 {strides = array<i32>} : memref<512x128xf32, #tpu.memory_space<vmem>>, vector<16xf32>,
          %gather3A_406 = tpu.vector_load_idx %arg22[%iota3A, %sub3A_391] : memref<16x64xf32, #tpu.memory_space<vmem>>[vector<16xi32>, vector<16xi32>], vector<16xf32>,
          %swap3A_407 = arith.index_cast %while3A_353 : i32 to index
          %swap3A_408 = arith.constant 32 : index
          %swap3A_409 = tpu.vector_load %arg20[%swap3A_407, %swap3A_408] {strides = array<i32>} : memref<512x128xf32, #tpu.memory_space<vmem>>, vector<16xf32>,
          tpu.vector_store %arg20[%swap3A_407, %swap3A_408], %gather3A_406 {strides = array<i32>} : memref<512x128xf32, #tpu.memory_space<vmem>>, vector<16xf32>,
        } else {
        }
        %add3A_381 = arith.constant 1 : i32
        %add3A_382 = arith.addi %while3A_353, %add3A_381 : i32
        %min3A_383 = arith.constant 511 : i32
        %min3A_384 = arith.minsi %add3A_382, %min3A_383 : i32
        %get3A_385 = arith.index_cast %min3A_384 : i32 to index
        %get3A_386 = tpu.vector_load %arg16[%get3A_385] {strides = array<i32>} : memref<544xi32, #tpu.memory_space<vmem>>, vector<16xi32>,
        %slice3A_387 = vector.extract_strided_slice %get3A_386 {offsets = [0], sizes = [1], strides = [1]} : vector<16xi32> to vector<1xi32>
        %squeeze3A_388 = vector.extract %slice3A_387[0] : i32 from vector<1xi32>
        scf.yield %add3A_382, %squeeze3A_388 : i32, i32
      }
      %add3A_348 = arith.constant 4 : i32
      %add3A_349 = arith.addi %while3A_297, %add3A_348 : i32
      %lt3A = arith.cmpi slt, %add3A_349, %add3A_29 : i32
      %convert_element_type3A_350 = arith.extui %lt3A : i1 to i32
      %cond3A_351 = arith.constant 0 : i32
      %cond3A_352 = arith.cmpi ne, %convert_element_type3A_350, %cond3A_351 : i32
      scf.if %cond3A_352 {
        %add3A_353 = arith.constant 4 : i32
        %add3A_354 = arith.addi %while3A_297, %add3A_353 : i32
        %mul3A_355 = arith.constant 2 : i32
        %mul3A_356 = arith.muli %mul3A_355, %add3A_354 : i32
        %add3A_357 = arith.addi %shift_right_arithmetic3A_4, %mul3A_356 : i32
        %min3A_358 = arith.constant 7810 : i32
        %min3A_359 = arith.minsi %add3A_357, %min3A_358 : i32
        %mul3A_360 = arith.constant 128 : i32
        %mul3A_361 = arith.muli %min3A_359, %mul3A_360 : i32
        %multiple_of3A = tpu.assume_multiple %mul3A_361, 128 : i32
        %dma_start3A_362 = arith.constant 0 : i32
        %dma_start3A_363 = arith.constant 0 : i32
        %dma_start3A_364 = tpu.memref_slice %arg18[%rem3A_301, %dma_start3A_362, %dma_start3A_363] : memref<4x32x256xf32, #tpu.memory_space<vmem>> -> memref<1x32x256xf32, #tpu.memory_space<vmem>>
        %dma_start3A_365 = tpu.memref_squeeze %dma_start3A_364 : memref<1x32x256xf32, #tpu.memory_space<vmem>> -> memref<32x256xf32, #tpu.memory_space<vmem>>
        %dma_start3A_366 = arith.constant 0 : i32
        %dma_start3A_367 = tpu.memref_slice %arg8[%dma_start3A_366, %multiple_of3A] : memref<32x1000000xf32, #tpu.memory_space<hbm>> -> memref<32x256xf32, #tpu.memory_space<hbm>>
        %dma_start3A_368 = tpu.memref_slice %arg23[%rem3A_301] : memref<4x!tpu.dma_semaphore, #tpu.memory_space<semaphore_mem>> -> memref<1x!tpu.dma_semaphore, #tpu.memory_space<semaphore_mem>>
        %dma_start3A_369 = tpu.memref_squeeze %dma_start3A_368 : memref<1x!tpu.dma_semaphore, #tpu.memory_space<semaphore_mem>> -> memref<!tpu.dma_semaphore, #tpu.memory_space<semaphore_mem>>
        %dma_start3A_370 = arith.constant 0 : i32
        %dma_start3A_371 = arith.constant 0 : i32
        %dma_start3A_372 = tpu.memref_slice %arg18[%rem3A_301, %dma_start3A_370, %dma_start3A_371] : memref<4x32x256xf32, #tpu.memory_space<vmem>> -> memref<1x32x256xf32, #tpu.memory_space<vmem>>
        %dma_start3A_373 = tpu.memref_squeeze %dma_start3A_372 : memref<1x32x256xf32, #tpu.memory_space<vmem>> -> memref<32x256xf32, #tpu.memory_space<vmem>>
        %dma_start3A_374 = arith.constant 0 : i32
        %dma_start3A_375 = tpu.memref_slice %arg8[%dma_start3A_374, %multiple_of3A] : memref<32x1000000xf32, #tpu.memory_space<hbm>> -> memref<32x256xf32, #tpu.memory_space<hbm>>
        tpu.enqueue_dma source(%dma_start3A_375 : memref<32x256xf32, #tpu.memory_space<hbm>>) target(%dma_start3A_373 : memref<32x256xf32, #tpu.memory_space<vmem>>) target_semaphore(%dma_start3A_369 : memref<!tpu.dma_semaphore, #tpu.memory_space<semaphore_mem>>)
        %dma_start3A_376 = arith.constant 0 : i32
        %dma_start3A_377 = arith.constant 0 : i32
        %dma_start3A_378 = tpu.memref_slice %arg19[%rem3A_301, %dma_start3A_376, %dma_start3A_377] : memref<4x16x256xf32, #tpu.memory_space<vmem>> -> memref<1x16x256xf32, #tpu.memory_space<vmem>>
        %dma_start3A_379 = tpu.memref_squeeze %dma_start3A_378 : memref<1x16x256xf32, #tpu.memory_space<vmem>> -> memref<16x256xf32, #tpu.memory_space<vmem>>
        %dma_start3A_380 = arith.constant 0 : i32
        %dma_start3A_381 = tpu.memref_slice %arg6[%dma_start3A_380, %multiple_of3A] : memref<16x1000000xf32, #tpu.memory_space<hbm>> -> memref<16x256xf32, #tpu.memory_space<hbm>>
        %dma_start3A_382 = tpu.memref_slice %arg23[%rem3A_301] : memref<4x!tpu.dma_semaphore, #tpu.memory_space<semaphore_mem>> -> memref<1x!tpu.dma_semaphore, #tpu.memory_space<semaphore_mem>>
        %dma_start3A_383 = tpu.memref_squeeze %dma_start3A_382 : memref<1x!tpu.dma_semaphore, #tpu.memory_space<semaphore_mem>> -> memref<!tpu.dma_semaphore, #tpu.memory_space<semaphore_mem>>
        %dma_start3A_384 = arith.constant 0 : i32
        %dma_start3A_385 = arith.constant 0 : i32
        %dma_start3A_386 = tpu.memref_slice %arg19[%rem3A_301, %dma_start3A_384, %dma_start3A_385] : memref<4x16x256xf32, #tpu.memory_space<vmem>> -> memref<1x16x256xf32, #tpu.memory_space<vmem>>
        %dma_start3A_387 = tpu.memref_squeeze %dma_start3A_386 : memref<1x16x256xf32, #tpu.memory_space<vmem>> -> memref<16x256xf32, #tpu.memory_space<vmem>>
        %dma_start3A_388 = arith.constant 0 : i32
        %dma_start3A_389 = tpu.memref_slice %arg6[%dma_start3A_388, %multiple_of3A] : memref<16x1000000xf32, #tpu.memory_space<hbm>> -> memref<16x256xf32, #tpu.memory_space<hbm>>
        tpu.enqueue_dma source(%dma_start3A_389 : memref<16x256xf32, #tpu.memory_space<hbm>>) target(%dma_start3A_387 : memref<16x256xf32, #tpu.memory_space<vmem>>) target_semaphore(%dma_start3A_383 : memref<!tpu.dma_semaphore, #tpu.memory_space<semaphore_mem>>)
      } else {
      }
      scf.yield %while3A_347#0, %while3A_347#1 : i32, i32
    }
    %dma_start3A = arith.constant 0 : i32
    %dma_start3A_62 = arith.constant 0 : i32
    %dma_start3A_63 = arith.constant 0 : i32
    %dma_start3A_64 = tpu.memref_slice %arg20[%dma_start3A_62, %dma_start3A_63] : memref<512x128xf32, #tpu.memory_space<vmem>> -> memref<128x128xf32, #tpu.memory_space<vmem>>
    %dma_start3A_65 = arith.constant 0 : i32
    %dma_start3A_66 = tpu.memref_slice %arg17[%dma_start3A, %dma_start3A_65] : memref<4x128xi32, #tpu.memory_space<vmem>> -> memref<1x128xi32, #tpu.memory_space<vmem>>
    %dma_start3A_67 = tpu.memref_squeeze %dma_start3A_66 : memref<1x128xi32, #tpu.memory_space<vmem>> -> memref<128xi32, #tpu.memory_space<vmem>>
    %dma_start3A_68 = arith.constant 0 : i32
    %dma_start3A_69 = arith.constant 0 : i32
    %dma_start3A_70 = tpu.memref_slice %arg14[%dma_start3A_68, %dma_start3A_69] : memref<16384x128xf32, #tpu.memory_space<hbm>> -> memref<16384x128xf32, #tpu.memory_space<hbm>>
    tpu.enqueue_indirect_dma source(%dma_start3A_64 : memref<128x128xf32, #tpu.memory_space<vmem>>) target(%dma_start3A_70 : memref<16384x128xf32, #tpu.memory_space<hbm>>) offsets(%dma_start3A_67 : memref<128xi32, #tpu.memory_space<vmem>>) semaphore(%arg24 : memref<!tpu.dma_semaphore, #tpu.memory_space<semaphore_mem>>)
    %dma_start3A_71 = arith.constant 1 : i32
    %dma_start3A_72 = arith.constant 128 : i32
    %dma_start3A_73 = arith.constant 0 : i32
    %dma_start3A_74 = tpu.memref_slice %arg20[%dma_start3A_72, %dma_start3A_73] : memref<512x128xf32, #tpu.memory_space<vmem>> -> memref<128x128xf32, #tpu.memory_space<vmem>>
    %dma_start3A_75 = arith.constant 0 : i32
    %dma_start3A_76 = tpu.memref_slice %arg17[%dma_start3A_71, %dma_start3A_75] : memref<4x128xi32, #tpu.memory_space<vmem>> -> memref<1x128xi32, #tpu.memory_space<vmem>>
    %dma_start3A_77 = tpu.memref_squeeze %dma_start3A_76 : memref<1x128xi32, #tpu.memory_space<vmem>> -> memref<128xi32, #tpu.memory_space<vmem>>
    %dma_start3A_78 = arith.constant 0 : i32
    %dma_start3A_79 = arith.constant 0 : i32
    %dma_start3A_80 = tpu.memref_slice %arg14[%dma_start3A_78, %dma_start3A_79] : memref<16384x128xf32, #tpu.memory_space<hbm>> -> memref<16384x128xf32, #tpu.memory_space<hbm>>
    tpu.enqueue_indirect_dma source(%dma_start3A_74 : memref<128x128xf32, #tpu.memory_space<vmem>>) target(%dma_start3A_80 : memref<16384x128xf32, #tpu.memory_space<hbm>>) offsets(%dma_start3A_77 : memref<128xi32, #tpu.memory_space<vmem>>) semaphore(%arg24 : memref<!tpu.dma_semaphore, #tpu.memory_space<semaphore_mem>>)
    %dma_start3A_81 = arith.constant 2 : i32
    %dma_start3A_82 = arith.constant 256 : i32
    %dma_start3A_83 = arith.constant 0 : i32
    %dma_start3A_84 = tpu.memref_slice %arg20[%dma_start3A_82, %dma_start3A_83] : memref<512x128xf32, #tpu.memory_space<vmem>> -> memref<128x128xf32, #tpu.memory_space<vmem>>
    %dma_start3A_85 = arith.constant 0 : i32
    %dma_start3A_86 = tpu.memref_slice %arg17[%dma_start3A_81, %dma_start3A_85] : memref<4x128xi32, #tpu.memory_space<vmem>> -> memref<1x128xi32, #tpu.memory_space<vmem>>
    %dma_start3A_87 = tpu.memref_squeeze %dma_start3A_86 : memref<1x128xi32, #tpu.memory_space<vmem>> -> memref<128xi32, #tpu.memory_space<vmem>>
    %dma_start3A_88 = arith.constant 0 : i32
    %dma_start3A_89 = arith.constant 0 : i32
    %dma_start3A_90 = tpu.memref_slice %arg14[%dma_start3A_88, %dma_start3A_89] : memref<16384x128xf32, #tpu.memory_space<hbm>> -> memref<16384x128xf32, #tpu.memory_space<hbm>>
    tpu.enqueue_indirect_dma source(%dma_start3A_84 : memref<128x128xf32, #tpu.memory_space<vmem>>) target(%dma_start3A_90 : memref<16384x128xf32, #tpu.memory_space<hbm>>) offsets(%dma_start3A_87 : memref<128xi32, #tpu.memory_space<vmem>>) semaphore(%arg24 : memref<!tpu.dma_semaphore, #tpu.memory_space<semaphore_mem>>)
    %dma_start3A_91 = arith.constant 3 : i32
    %dma_start3A_92 = arith.constant 384 : i32
    %dma_start3A_93 = arith.constant 0 : i32
    %dma_start3A_94 = tpu.memref_slice %arg20[%dma_start3A_92, %dma_start3A_93] : memref<512x128xf32, #tpu.memory_space<vmem>> -> memref<128x128xf32, #tpu.memory_space<vmem>>
    %dma_start3A_95 = arith.constant 0 : i32
    %dma_start3A_96 = tpu.memref_slice %arg17[%dma_start3A_91, %dma_start3A_95] : memref<4x128xi32, #tpu.memory_space<vmem>> -> memref<1x128xi32, #tpu.memory_space<vmem>>
    %dma_start3A_97 = tpu.memref_squeeze %dma_start3A_96 : memref<1x128xi32, #tpu.memory_space<vmem>> -> memref<128xi32, #tpu.memory_space<vmem>>
    %dma_start3A_98 = arith.constant 0 : i32
    %dma_start3A_99 = arith.constant 0 : i32
    %dma_start3A_100 = tpu.memref_slice %arg14[%dma_start3A_98, %dma_start3A_99] : memref<16384x128xf32, #tpu.memory_space<hbm>> -> memref<16384x128xf32, #tpu.memory_space<hbm>>
    tpu.enqueue_indirect_dma source(%dma_start3A_94 : memref<128x128xf32, #tpu.memory_space<vmem>>) target(%dma_start3A_100 : memref<16384x128xf32, #tpu.memory_space<hbm>>) offsets(%dma_start3A_97 : memref<128xi32, #tpu.memory_space<vmem>>) semaphore(%arg24 : memref<!tpu.dma_semaphore, #tpu.memory_space<semaphore_mem>>)
    %dma_wait3A = arith.constant 0 : i32
    %dma_wait3A_101 = arith.constant 0 : i32
    %dma_wait3A_102 = arith.constant 0 : i32
    %dma_wait3A_103 = tpu.memref_slice %arg20[%dma_wait3A_101, %dma_wait3A_102] : memref<512x128xf32, #tpu.memory_space<vmem>> -> memref<128x128xf32, #tpu.memory_space<vmem>>
    %dma_wait3A_104 = arith.constant 0 : i32
    %dma_wait3A_105 = tpu.memref_slice %arg17[%dma_wait3A, %dma_wait3A_104] : memref<4x128xi32, #tpu.memory_space<vmem>> -> memref<1x128xi32, #tpu.memory_space<vmem>>
    %dma_wait3A_106 = tpu.memref_squeeze %dma_wait3A_105 : memref<1x128xi32, #tpu.memory_space<vmem>> -> memref<128xi32, #tpu.memory_space<vmem>>
    %dma_wait3A_107 = arith.constant 0 : i32
    %dma_wait3A_108 = arith.constant 0 : i32
    %dma_wait3A_109 = tpu.memref_slice %arg14[%dma_wait3A_107, %dma_wait3A_108] : memref<16384x128xf32, #tpu.memory_space<hbm>> -> memref<16384x128xf32, #tpu.memory_space<hbm>>
    tpu.wait_indirect_dma semaphore(%arg24 : memref<!tpu.dma_semaphore, #tpu.memory_space<semaphore_mem>>) src(%dma_wait3A_103 : memref<128x128xf32, #tpu.memory_space<vmem>>) dst(%dma_wait3A_109 : memref<16384x128xf32, #tpu.memory_space<hbm>>)
    %dma_wait3A_110 = arith.constant 1 : i32
    %dma_wait3A_111 = arith.constant 128 : i32
    %dma_wait3A_112 = arith.constant 0 : i32
    %dma_wait3A_113 = tpu.memref_slice %arg20[%dma_wait3A_111, %dma_wait3A_112] : memref<512x128xf32, #tpu.memory_space<vmem>> -> memref<128x128xf32, #tpu.memory_space<vmem>>
    %dma_wait3A_114 = arith.constant 0 : i32
    %dma_wait3A_115 = tpu.memref_slice %arg17[%dma_wait3A_110, %dma_wait3A_114] : memref<4x128xi32, #tpu.memory_space<vmem>> -> memref<1x128xi32, #tpu.memory_space<vmem>>
    %dma_wait3A_116 = tpu.memref_squeeze %dma_wait3A_115 : memref<1x128xi32, #tpu.memory_space<vmem>> -> memref<128xi32, #tpu.memory_space<vmem>>
    %dma_wait3A_117 = arith.constant 0 : i32
    %dma_wait3A_118 = arith.constant 0 : i32
    %dma_wait3A_119 = tpu.memref_slice %arg14[%dma_wait3A_117, %dma_wait3A_118] : memref<16384x128xf32, #tpu.memory_space<hbm>> -> memref<16384x128xf32, #tpu.memory_space<hbm>>
    tpu.wait_indirect_dma semaphore(%arg24 : memref<!tpu.dma_semaphore, #tpu.memory_space<semaphore_mem>>) src(%dma_wait3A_113 : memref<128x128xf32, #tpu.memory_space<vmem>>) dst(%dma_wait3A_119 : memref<16384x128xf32, #tpu.memory_space<hbm>>)
    %dma_wait3A_120 = arith.constant 2 : i32
    %dma_wait3A_121 = arith.constant 256 : i32
    %dma_wait3A_122 = arith.constant 0 : i32
    %dma_wait3A_123 = tpu.memref_slice %arg20[%dma_wait3A_121, %dma_wait3A_122] : memref<512x128xf32, #tpu.memory_space<vmem>> -> memref<128x128xf32, #tpu.memory_space<vmem>>
    %dma_wait3A_124 = arith.constant 0 : i32
    %dma_wait3A_125 = tpu.memref_slice %arg17[%dma_wait3A_120, %dma_wait3A_124] : memref<4x128xi32, #tpu.memory_space<vmem>> -> memref<1x128xi32, #tpu.memory_space<vmem>>
    %dma_wait3A_126 = tpu.memref_squeeze %dma_wait3A_125 : memref<1x128xi32, #tpu.memory_space<vmem>> -> memref<128xi32, #tpu.memory_space<vmem>>
    %dma_wait3A_127 = arith.constant 0 : i32
    %dma_wait3A_128 = arith.constant 0 : i32
    %dma_wait3A_129 = tpu.memref_slice %arg14[%dma_wait3A_127, %dma_wait3A_128] : memref<16384x128xf32, #tpu.memory_space<hbm>> -> memref<16384x128xf32, #tpu.memory_space<hbm>>
    tpu.wait_indirect_dma semaphore(%arg24 : memref<!tpu.dma_semaphore, #tpu.memory_space<semaphore_mem>>) src(%dma_wait3A_123 : memref<128x128xf32, #tpu.memory_space<vmem>>) dst(%dma_wait3A_129 : memref<16384x128xf32, #tpu.memory_space<hbm>>)
    %dma_wait3A_130 = arith.constant 3 : i32
    %dma_wait3A_131 = arith.constant 384 : i32
    %dma_wait3A_132 = arith.constant 0 : i32
    %dma_wait3A_133 = tpu.memref_slice %arg20[%dma_wait3A_131, %dma_wait3A_132] : memref<512x128xf32, #tpu.memory_space<vmem>> -> memref<128x128xf32, #tpu.memory_space<vmem>>
    %dma_wait3A_134 = arith.constant 0 : i32
    %dma_wait3A_135 = tpu.memref_slice %arg17[%dma_wait3A_130, %dma_wait3A_134] : memref<4x128xi32, #tpu.memory_space<vmem>> -> memref<1x128xi32, #tpu.memory_space<vmem>>
    %dma_wait3A_136 = tpu.memref_squeeze %dma_wait3A_135 : memref<1x128xi32, #tpu.memory_space<vmem>> -> memref<128xi32, #tpu.memory_space<vmem>>
    %dma_wait3A_137 = arith.constant 0 : i32
    %dma_wait3A_138 = arith.constant 0 : i32
    %dma_wait3A_139 = tpu.memref_slice %arg14[%dma_wait3A_137, %dma_wait3A_138] : memref<16384x128xf32, #tpu.memory_space<hbm>> -> memref<16384x128xf32, #tpu.memory_space<hbm>>
    tpu.wait_indirect_dma semaphore(%arg24 : memref<!tpu.dma_semaphore, #tpu.memory_space<semaphore_mem>>) src(%dma_wait3A_133 : memref<128x128xf32, #tpu.memory_space<vmem>>) dst(%dma_wait3A_139 : memref<16384x128xf32, #tpu.memory_space<hbm>>)
    "tpu.region"() ({
      %run_scoped3A = tpu.sem_alloc : memref<!tpu.dma_semaphore, #tpu.memory_space<semaphore_mem>>
      %dma_start3A_297 = arith.constant 0 : i32
      %dma_start3A_298 = tpu.memref_slice %arg16[%dma_start3A_297] : memref<544xi32, #tpu.memory_space<vmem>> -> memref<512xi32, #tpu.memory_space<vmem>>
      %dma_start3A_299 = arith.constant 0 : i32
      %dma_start3A_300 = tpu.memref_slice %arg3[%add3A, %dma_start3A_299] : memref<32x512xi32, #tpu.memory_space<hbm>> -> memref<1x512xi32, #tpu.memory_space<hbm>>
      %dma_start3A_301 = tpu.memref_squeeze %dma_start3A_300 : memref<1x512xi32, #tpu.memory_space<hbm>> -> memref<512xi32, #tpu.memory_space<hbm>>
      %dma_start3A_302 = arith.constant 0 : i32
      %dma_start3A_303 = tpu.memref_slice %arg16[%dma_start3A_302] : memref<544xi32, #tpu.memory_space<vmem>> -> memref<512xi32, #tpu.memory_space<vmem>>
      %dma_start3A_304 = arith.constant 0 : i32
      %dma_start3A_305 = tpu.memref_slice %arg3[%add3A, %dma_start3A_304] : memref<32x512xi32, #tpu.memory_space<hbm>> -> memref<1x512xi32, #tpu.memory_space<hbm>>
      %dma_start3A_306 = tpu.memref_squeeze %dma_start3A_305 : memref<1x512xi32, #tpu.memory_space<hbm>> -> memref<512xi32, #tpu.memory_space<hbm>>
      tpu.enqueue_dma source(%dma_start3A_306 : memref<512xi32, #tpu.memory_space<hbm>>) target(%dma_start3A_303 : memref<512xi32, #tpu.memory_space<vmem>>) target_semaphore(%run_scoped3A : memref<!tpu.dma_semaphore, #tpu.memory_space<semaphore_mem>>)
      %dma_wait3A_307 = arith.constant 0 : i32
      %dma_wait3A_308 = tpu.memref_slice %arg16[%dma_wait3A_307] : memref<544xi32, #tpu.memory_space<vmem>> -> memref<512xi32, #tpu.memory_space<vmem>>
      %dma_wait3A_309 = arith.constant 0 : i32
      %dma_wait3A_310 = tpu.memref_slice %arg3[%add3A, %dma_wait3A_309] : memref<32x512xi32, #tpu.memory_space<hbm>> -> memref<1x512xi32, #tpu.memory_space<hbm>>
      %dma_wait3A_311 = tpu.memref_squeeze %dma_wait3A_310 : memref<1x512xi32, #tpu.memory_space<hbm>> -> memref<512xi32, #tpu.memory_space<hbm>>
      %dma_wait3A_312 = arith.constant 0 : i32
      %dma_wait3A_313 = tpu.memref_slice %arg16[%dma_wait3A_312] : memref<544xi32, #tpu.memory_space<vmem>> -> memref<512xi32, #tpu.memory_space<vmem>>
      %dma_wait3A_314 = arith.constant 0 : i32
      %dma_wait3A_315 = tpu.memref_slice %arg3[%add3A, %dma_wait3A_314] : memref<32x512xi32, #tpu.memory_space<hbm>> -> memref<1x512xi32, #tpu.memory_space<hbm>>
      %dma_wait3A_316 = tpu.memref_squeeze %dma_wait3A_315 : memref<1x512xi32, #tpu.memory_space<hbm>> -> memref<512xi32, #tpu.memory_space<hbm>>
      tpu.wait_dma2 semaphore(%run_scoped3A : memref<!tpu.dma_semaphore, #tpu.memory_space<semaphore_mem>>) src(%dma_wait3A_316 : memref<512xi32, #tpu.memory_space<hbm>>) dst(%dma_wait3A_313 : memref<512xi32, #tpu.memory_space<vmem>>)
      tpu.yield
    }) : () -> ()
    %mul3A_140 = arith.constant 4 : i32
    %mul3A_141 = arith.muli %add3A, %mul3A_140 : i32
    "tpu.region"() ({
      %run_scoped3A = tpu.sem_alloc : memref<!tpu.dma_semaphore, #tpu.memory_space<semaphore_mem>>
      %dma_start3A_297 = arith.constant 0 : i32
      %dma_start3A_298 = tpu.memref_slice %arg5[%mul3A_141, %dma_start3A_297] : memref<128x128xi32, #tpu.memory_space<hbm>> -> memref<4x128xi32, #tpu.memory_space<hbm>>
      %dma_start3A_299 = arith.constant 0 : i32
      %dma_start3A_300 = tpu.memref_slice %arg5[%mul3A_141, %dma_start3A_299] : memref<128x128xi32, #tpu.memory_space<hbm>> -> memref<4x128xi32, #tpu.memory_space<hbm>>
      tpu.enqueue_dma source(%dma_start3A_300 : memref<4x128xi32, #tpu.memory_space<hbm>>) target(%arg17 : memref<4x128xi32, #tpu.memory_space<vmem>>) target_semaphore(%run_scoped3A : memref<!tpu.dma_semaphore, #tpu.memory_space<semaphore_mem>>)
      %dma_wait3A_301 = arith.constant 0 : i32
      %dma_wait3A_302 = tpu.memref_slice %arg5[%mul3A_141, %dma_wait3A_301] : memref<128x128xi32, #tpu.memory_space<hbm>> -> memref<4x128xi32, #tpu.memory_space<hbm>>
      %dma_wait3A_303 = arith.constant 0 : i32
      %dma_wait3A_304 = tpu.memref_slice %arg5[%mul3A_141, %dma_wait3A_303] : memref<128x128xi32, #tpu.memory_space<hbm>> -> memref<4x128xi32, #tpu.memory_space<hbm>>
      tpu.wait_dma2 semaphore(%run_scoped3A : memref<!tpu.dma_semaphore, #tpu.memory_space<semaphore_mem>>) src(%dma_wait3A_304 : memref<4x128xi32, #tpu.memory_space<hbm>>) dst(%arg17 : memref<4x128xi32, #tpu.memory_space<vmem>>)
      tpu.yield
    }) : () -> ()
    "tpu.region"() ({
      %run_scoped3A = tpu.sem_alloc : memref<!tpu.dma_semaphore, #tpu.memory_space<semaphore_mem>>
      tpu.enqueue_dma source(%arg13 : memref<32x64xf32, #tpu.memory_space<hbm>>) target(%arg21 : memref<32x64xf32, #tpu.memory_space<vmem>>) target_semaphore(%run_scoped3A : memref<!tpu.dma_semaphore, #tpu.memory_space<semaphore_mem>>)
      tpu.wait_dma2 semaphore(%run_scoped3A : memref<!tpu.dma_semaphore, #tpu.memory_space<semaphore_mem>>) src(%arg13 : memref<32x64xf32, #tpu.memory_space<hbm>>) dst(%arg21 : memref<32x64xf32, #tpu.memory_space<vmem>>)
      tpu.yield
    }) : () -> ()
    "tpu.region"() ({
      %run_scoped3A = tpu.sem_alloc : memref<!tpu.dma_semaphore, #tpu.memory_space<semaphore_mem>>
      tpu.enqueue_dma source(%arg11 : memref<16x64xf32, #tpu.memory_space<hbm>>) target(%arg22 : memref<16x64xf32, #tpu.memory_space<vmem>>) target_semaphore(%run_scoped3A : memref<!tpu.dma_semaphore, #tpu.memory_space<semaphore_mem>>)
      tpu.wait_dma2 semaphore(%run_scoped3A : memref<!tpu.dma_semaphore, #tpu.memory_space<semaphore_mem>>) src(%arg11 : memref<16x64xf32, #tpu.memory_space<hbm>>) dst(%arg22 : memref<16x64xf32, #tpu.memory_space<vmem>>)
      tpu.yield
    }) : () -> ()
    %get3A_142 = arith.constant 0 : index
    %get3A_143 = tpu.vector_load %arg16[%get3A_142] {strides = array<i32>} : memref<544xi32, #tpu.memory_space<vmem>>, vector<16xi32>,
    %slice3A_144 = vector.extract_strided_slice %get3A_143 {offsets = [0], sizes = [1], strides = [1]} : vector<16xi32> to vector<1xi32>
    %squeeze3A_145 = vector.extract %slice3A_144[0] : i32 from vector<1xi32>
    %shift_right_arithmetic3A_146 = arith.constant 7 : i32
    %shift_right_arithmetic3A_147 = arith.shrsi %squeeze3A_145, %shift_right_arithmetic3A_146 : i32
    %get3A_148 = arith.constant 496 : index
    %get3A_149 = tpu.vector_load %arg16[%get3A_148] {strides = array<i32>} : memref<544xi32, #tpu.memory_space<vmem>>, vector<16xi32>,
    %slice3A_150 = vector.extract_strided_slice %get3A_149 {offsets = [15], sizes = [1], strides = [1]} : vector<16xi32> to vector<1xi32>
    %squeeze3A_151 = vector.extract %slice3A_150[0] : i32 from vector<1xi32>
    %shift_right_arithmetic3A_152 = arith.constant 7 : i32
    %shift_right_arithmetic3A_153 = arith.shrsi %squeeze3A_151, %shift_right_arithmetic3A_152 : i32
    %sub3A_154 = arith.subi %shift_right_arithmetic3A_153, %shift_right_arithmetic3A_147 : i32
    %jit3A_155 = arith.constant 2 : i32
    %div3A_156 = arith.divsi %sub3A_154, %jit3A_155 : i32
    %sign3A_157 = arith.constant 0 : i32
    %sign3A_158 = arith.cmpi sgt, %sub3A_154, %sign3A_157 : i32
    %sign3A_159 = arith.extui %sign3A_158 : i1 to i32
    %sign3A_160 = arith.constant 0 : i32
    %sign3A_161 = arith.cmpi slt, %sub3A_154, %sign3A_160 : i32
    %sign3A_162 = arith.extui %sign3A_161 : i1 to i32
    %sign3A_163 = arith.subi %sign3A_159, %sign3A_162 : i32
    %sign3A_164 = arith.constant 0 : i32
    %sign3A_165 = arith.cmpi sgt, %jit3A_155, %sign3A_164 : i32
    %sign3A_166 = arith.extui %sign3A_165 : i1 to i32
    %sign3A_167 = arith.constant 0 : i32
    %sign3A_168 = arith.cmpi slt, %jit3A_155, %sign3A_167 : i32
    %sign3A_169 = arith.extui %sign3A_168 : i1 to i32
    %sign3A_170 = arith.subi %sign3A_166, %sign3A_169 : i32
    %ne3A_171 = arith.cmpi ne, %sign3A_163, %sign3A_170 : i32
    %rem3A_172 = arith.remsi %sub3A_154, %jit3A_155 : i32
    %ne3A_173 = arith.constant 0 : i32
    %ne3A_174 = arith.cmpi ne, %rem3A_172, %ne3A_173 : i32
    %and3A_175 = arith.andi %ne3A_171, %ne3A_174 : i1
    %sub3A_176 = arith.constant 1 : i32
    %sub3A_177 = arith.subi %div3A_156, %sub3A_176 : i32
    %select_n3A_178 = arith.select %and3A_175, %sub3A_177, %div3A_156 : i32
    %add3A_179 = arith.constant 1 : i32
    %add3A_180 = arith.addi %select_n3A_178, %add3A_179 : i32
    %gt3A_181 = arith.constant 0 : i32
    %gt3A_182 = arith.cmpi sgt, %add3A_180, %gt3A_181 : i32
    %convert_element_type3A_183 = arith.extui %gt3A_182 : i1 to i32
    %cond3A_184 = arith.constant 0 : i32
    %cond3A_185 = arith.cmpi ne, %convert_element_type3A_183, %cond3A_184 : i32
    scf.if %cond3A_185 {
      %add3A_297 = arith.constant 0 : i32
      %add3A_298 = arith.addi %shift_right_arithmetic3A_147, %add3A_297 : i32
      %min3A = arith.constant 7810 : i32
      %min3A_299 = arith.minsi %add3A_298, %min3A : i32
      %mul3A_300 = arith.constant 128 : i32
      %mul3A_301 = arith.muli %min3A_299, %mul3A_300 : i32
      %multiple_of3A = tpu.assume_multiple %mul3A_301, 128 : i32
      %dma_start3A_302 = arith.constant 0 : i32
      %dma_start3A_303 = arith.constant 0 : i32
      %dma_start3A_304 = arith.constant 0 : i32
      %dma_start3A_305 = arith.constant 0 : i32
      %dma_start3A_306 = tpu.memref_slice %arg18[%dma_start3A_302, %dma_start3A_304, %dma_start3A_305] : memref<4x32x256xf32, #tpu.memory_space<vmem>> -> memref<1x32x256xf32, #tpu.memory_space<vmem>>
      %dma_start3A_307 = tpu.memref_squeeze %dma_start3A_306 : memref<1x32x256xf32, #tpu.memory_space<vmem>> -> memref<32x256xf32, #tpu.memory_space<vmem>>
      %dma_start3A_308 = arith.constant 0 : i32
      %dma_start3A_309 = tpu.memref_slice %arg9[%dma_start3A_308, %multiple_of3A] : memref<32x1000000xf32, #tpu.memory_space<hbm>> -> memref<32x256xf32, #tpu.memory_space<hbm>>
      %dma_start3A_310 = tpu.memref_slice %arg23[%dma_start3A_303] : memref<4x!tpu.dma_semaphore, #tpu.memory_space<semaphore_mem>> -> memref<1x!tpu.dma_semaphore, #tpu.memory_space<semaphore_mem>>
      %dma_start3A_311 = tpu.memref_squeeze %dma_start3A_310 : memref<1x!tpu.dma_semaphore, #tpu.memory_space<semaphore_mem>> -> memref<!tpu.dma_semaphore, #tpu.memory_space<semaphore_mem>>
      %dma_start3A_312 = arith.constant 0 : i32
      %dma_start3A_313 = arith.constant 0 : i32
      %dma_start3A_314 = tpu.memref_slice %arg18[%dma_start3A_302, %dma_start3A_312, %dma_start3A_313] : memref<4x32x256xf32, #tpu.memory_space<vmem>> -> memref<1x32x256xf32, #tpu.memory_space<vmem>>
      %dma_start3A_315 = tpu.memref_squeeze %dma_start3A_314 : memref<1x32x256xf32, #tpu.memory_space<vmem>> -> memref<32x256xf32, #tpu.memory_space<vmem>>
      %dma_start3A_316 = arith.constant 0 : i32
      %dma_start3A_317 = tpu.memref_slice %arg9[%dma_start3A_316, %multiple_of3A] : memref<32x1000000xf32, #tpu.memory_space<hbm>> -> memref<32x256xf32, #tpu.memory_space<hbm>>
      tpu.enqueue_dma source(%dma_start3A_317 : memref<32x256xf32, #tpu.memory_space<hbm>>) target(%dma_start3A_315 : memref<32x256xf32, #tpu.memory_space<vmem>>) target_semaphore(%dma_start3A_311 : memref<!tpu.dma_semaphore, #tpu.memory_space<semaphore_mem>>)
      %dma_start3A_318 = arith.constant 0 : i32
      %dma_start3A_319 = arith.constant 0 : i32
      %dma_start3A_320 = arith.constant 0 : i32
      %dma_start3A_321 = arith.constant 0 : i32
      %dma_start3A_322 = tpu.memref_slice %arg19[%dma_start3A_318, %dma_start3A_320, %dma_start3A_321] : memref<4x16x256xf32, #tpu.memory_space<vmem>> -> memref<1x16x256xf32, #tpu.memory_space<vmem>>
      %dma_start3A_323 = tpu.memref_squeeze %dma_start3A_322 : memref<1x16x256xf32, #tpu.memory_space<vmem>> -> memref<16x256xf32, #tpu.memory_space<vmem>>
      %dma_start3A_324 = arith.constant 0 : i32
      %dma_start3A_325 = tpu.memref_slice %arg7[%dma_start3A_324, %multiple_of3A] : memref<16x1000000xf32, #tpu.memory_space<hbm>> -> memref<16x256xf32, #tpu.memory_space<hbm>>
      %dma_start3A_326 = tpu.memref_slice %arg23[%dma_start3A_319] : memref<4x!tpu.dma_semaphore, #tpu.memory_space<semaphore_mem>> -> memref<1x!tpu.dma_semaphore, #tpu.memory_space<semaphore_mem>>
      %dma_start3A_327 = tpu.memref_squeeze %dma_start3A_326 : memref<1x!tpu.dma_semaphore, #tpu.memory_space<semaphore_mem>> -> memref<!tpu.dma_semaphore, #tpu.memory_space<semaphore_mem>>
      %dma_start3A_328 = arith.constant 0 : i32
      %dma_start3A_329 = arith.constant 0 : i32
      %dma_start3A_330 = tpu.memref_slice %arg19[%dma_start3A_318, %dma_start3A_328, %dma_start3A_329] : memref<4x16x256xf32, #tpu.memory_space<vmem>> -> memref<1x16x256xf32, #tpu.memory_space<vmem>>
      %dma_start3A_331 = tpu.memref_squeeze %dma_start3A_330 : memref<1x16x256xf32, #tpu.memory_space<vmem>> -> memref<16x256xf32, #tpu.memory_space<vmem>>
      %dma_start3A_332 = arith.constant 0 : i32
      %dma_start3A_333 = tpu.memref_slice %arg7[%dma_start3A_332, %multiple_of3A] : memref<16x1000000xf32, #tpu.memory_space<hbm>> -> memref<16x256xf32, #tpu.memory_space<hbm>>
      tpu.enqueue_dma source(%dma_start3A_333 : memref<16x256xf32, #tpu.memory_space<hbm>>) target(%dma_start3A_331 : memref<16x256xf32, #tpu.memory_space<vmem>>) target_semaphore(%dma_start3A_327 : memref<!tpu.dma_semaphore, #tpu.memory_space<semaphore_mem>>)
    } else {
    }
    %gt3A_186 = arith.constant 1 : i32
    %gt3A_187 = arith.cmpi sgt, %add3A_180, %gt3A_186 : i32
    %convert_element_type3A_188 = arith.extui %gt3A_187 : i1 to i32
    %cond3A_189 = arith.constant 0 : i32
    %cond3A_190 = arith.cmpi ne, %convert_element_type3A_188, %cond3A_189 : i32
    scf.if %cond3A_190 {
      %add3A_297 = arith.constant 2 : i32
      %add3A_298 = arith.addi %shift_right_arithmetic3A_147, %add3A_297 : i32
      %min3A = arith.constant 7810 : i32
      %min3A_299 = arith.minsi %add3A_298, %min3A : i32
      %mul3A_300 = arith.constant 128 : i32
      %mul3A_301 = arith.muli %min3A_299, %mul3A_300 : i32
      %multiple_of3A = tpu.assume_multiple %mul3A_301, 128 : i32
      %dma_start3A_302 = arith.constant 1 : i32
      %dma_start3A_303 = arith.constant 1 : i32
      %dma_start3A_304 = arith.constant 0 : i32
      %dma_start3A_305 = arith.constant 0 : i32
      %dma_start3A_306 = tpu.memref_slice %arg18[%dma_start3A_302, %dma_start3A_304, %dma_start3A_305] : memref<4x32x256xf32, #tpu.memory_space<vmem>> -> memref<1x32x256xf32, #tpu.memory_space<vmem>>
      %dma_start3A_307 = tpu.memref_squeeze %dma_start3A_306 : memref<1x32x256xf32, #tpu.memory_space<vmem>> -> memref<32x256xf32, #tpu.memory_space<vmem>>
      %dma_start3A_308 = arith.constant 0 : i32
      %dma_start3A_309 = tpu.memref_slice %arg9[%dma_start3A_308, %multiple_of3A] : memref<32x1000000xf32, #tpu.memory_space<hbm>> -> memref<32x256xf32, #tpu.memory_space<hbm>>
      %dma_start3A_310 = tpu.memref_slice %arg23[%dma_start3A_303] : memref<4x!tpu.dma_semaphore, #tpu.memory_space<semaphore_mem>> -> memref<1x!tpu.dma_semaphore, #tpu.memory_space<semaphore_mem>>
      %dma_start3A_311 = tpu.memref_squeeze %dma_start3A_310 : memref<1x!tpu.dma_semaphore, #tpu.memory_space<semaphore_mem>> -> memref<!tpu.dma_semaphore, #tpu.memory_space<semaphore_mem>>
      %dma_start3A_312 = arith.constant 0 : i32
      %dma_start3A_313 = arith.constant 0 : i32
      %dma_start3A_314 = tpu.memref_slice %arg18[%dma_start3A_302, %dma_start3A_312, %dma_start3A_313] : memref<4x32x256xf32, #tpu.memory_space<vmem>> -> memref<1x32x256xf32, #tpu.memory_space<vmem>>
      %dma_start3A_315 = tpu.memref_squeeze %dma_start3A_314 : memref<1x32x256xf32, #tpu.memory_space<vmem>> -> memref<32x256xf32, #tpu.memory_space<vmem>>
      %dma_start3A_316 = arith.constant 0 : i32
      %dma_start3A_317 = tpu.memref_slice %arg9[%dma_start3A_316, %multiple_of3A] : memref<32x1000000xf32, #tpu.memory_space<hbm>> -> memref<32x256xf32, #tpu.memory_space<hbm>>
      tpu.enqueue_dma source(%dma_start3A_317 : memref<32x256xf32, #tpu.memory_space<hbm>>) target(%dma_start3A_315 : memref<32x256xf32, #tpu.memory_space<vmem>>) target_semaphore(%dma_start3A_311 : memref<!tpu.dma_semaphore, #tpu.memory_space<semaphore_mem>>)
      %dma_start3A_318 = arith.constant 1 : i32
      %dma_start3A_319 = arith.constant 1 : i32
      %dma_start3A_320 = arith.constant 0 : i32
      %dma_start3A_321 = arith.constant 0 : i32
      %dma_start3A_322 = tpu.memref_slice %arg19[%dma_start3A_318, %dma_start3A_320, %dma_start3A_321] : memref<4x16x256xf32, #tpu.memory_space<vmem>> -> memref<1x16x256xf32, #tpu.memory_space<vmem>>
      %dma_start3A_323 = tpu.memref_squeeze %dma_start3A_322 : memref<1x16x256xf32, #tpu.memory_space<vmem>> -> memref<16x256xf32, #tpu.memory_space<vmem>>
      %dma_start3A_324 = arith.constant 0 : i32
      %dma_start3A_325 = tpu.memref_slice %arg7[%dma_start3A_324, %multiple_of3A] : memref<16x1000000xf32, #tpu.memory_space<hbm>> -> memref<16x256xf32, #tpu.memory_space<hbm>>
      %dma_start3A_326 = tpu.memref_slice %arg23[%dma_start3A_319] : memref<4x!tpu.dma_semaphore, #tpu.memory_space<semaphore_mem>> -> memref<1x!tpu.dma_semaphore, #tpu.memory_space<semaphore_mem>>
      %dma_start3A_327 = tpu.memref_squeeze %dma_start3A_326 : memref<1x!tpu.dma_semaphore, #tpu.memory_space<semaphore_mem>> -> memref<!tpu.dma_semaphore, #tpu.memory_space<semaphore_mem>>
      %dma_start3A_328 = arith.constant 0 : i32
      %dma_start3A_329 = arith.constant 0 : i32
      %dma_start3A_330 = tpu.memref_slice %arg19[%dma_start3A_318, %dma_start3A_328, %dma_start3A_329] : memref<4x16x256xf32, #tpu.memory_space<vmem>> -> memref<1x16x256xf32, #tpu.memory_space<vmem>>
      %dma_start3A_331 = tpu.memref_squeeze %dma_start3A_330 : memref<1x16x256xf32, #tpu.memory_space<vmem>> -> memref<16x256xf32, #tpu.memory_space<vmem>>
      %dma_start3A_332 = arith.constant 0 : i32
      %dma_start3A_333 = tpu.memref_slice %arg7[%dma_start3A_332, %multiple_of3A] : memref<16x1000000xf32, #tpu.memory_space<hbm>> -> memref<16x256xf32, #tpu.memory_space<hbm>>
      tpu.enqueue_dma source(%dma_start3A_333 : memref<16x256xf32, #tpu.memory_space<hbm>>) target(%dma_start3A_331 : memref<16x256xf32, #tpu.memory_space<vmem>>) target_semaphore(%dma_start3A_327 : memref<!tpu.dma_semaphore, #tpu.memory_space<semaphore_mem>>)
    } else {
    }
    %gt3A_191 = arith.constant 2 : i32
    %gt3A_192 = arith.cmpi sgt, %add3A_180, %gt3A_191 : i32
    %convert_element_type3A_193 = arith.extui %gt3A_192 : i1 to i32
    %cond3A_194 = arith.constant 0 : i32
    %cond3A_195 = arith.cmpi ne, %convert_element_type3A_193, %cond3A_194 : i32
    scf.if %cond3A_195 {
      %add3A_297 = arith.constant 4 : i32
      %add3A_298 = arith.addi %shift_right_arithmetic3A_147, %add3A_297 : i32
      %min3A = arith.constant 7810 : i32
      %min3A_299 = arith.minsi %add3A_298, %min3A : i32
      %mul3A_300 = arith.constant 128 : i32
      %mul3A_301 = arith.muli %min3A_299, %mul3A_300 : i32
      %multiple_of3A = tpu.assume_multiple %mul3A_301, 128 : i32
      %dma_start3A_302 = arith.constant 2 : i32
      %dma_start3A_303 = arith.constant 2 : i32
      %dma_start3A_304 = arith.constant 0 : i32
      %dma_start3A_305 = arith.constant 0 : i32
      %dma_start3A_306 = tpu.memref_slice %arg18[%dma_start3A_302, %dma_start3A_304, %dma_start3A_305] : memref<4x32x256xf32, #tpu.memory_space<vmem>> -> memref<1x32x256xf32, #tpu.memory_space<vmem>>
      %dma_start3A_307 = tpu.memref_squeeze %dma_start3A_306 : memref<1x32x256xf32, #tpu.memory_space<vmem>> -> memref<32x256xf32, #tpu.memory_space<vmem>>
      %dma_start3A_308 = arith.constant 0 : i32
      %dma_start3A_309 = tpu.memref_slice %arg9[%dma_start3A_308, %multiple_of3A] : memref<32x1000000xf32, #tpu.memory_space<hbm>> -> memref<32x256xf32, #tpu.memory_space<hbm>>
      %dma_start3A_310 = tpu.memref_slice %arg23[%dma_start3A_303] : memref<4x!tpu.dma_semaphore, #tpu.memory_space<semaphore_mem>> -> memref<1x!tpu.dma_semaphore, #tpu.memory_space<semaphore_mem>>
      %dma_start3A_311 = tpu.memref_squeeze %dma_start3A_310 : memref<1x!tpu.dma_semaphore, #tpu.memory_space<semaphore_mem>> -> memref<!tpu.dma_semaphore, #tpu.memory_space<semaphore_mem>>
      %dma_start3A_312 = arith.constant 0 : i32
      %dma_start3A_313 = arith.constant 0 : i32
      %dma_start3A_314 = tpu.memref_slice %arg18[%dma_start3A_302, %dma_start3A_312, %dma_start3A_313] : memref<4x32x256xf32, #tpu.memory_space<vmem>> -> memref<1x32x256xf32, #tpu.memory_space<vmem>>
      %dma_start3A_315 = tpu.memref_squeeze %dma_start3A_314 : memref<1x32x256xf32, #tpu.memory_space<vmem>> -> memref<32x256xf32, #tpu.memory_space<vmem>>
      %dma_start3A_316 = arith.constant 0 : i32
      %dma_start3A_317 = tpu.memref_slice %arg9[%dma_start3A_316, %multiple_of3A] : memref<32x1000000xf32, #tpu.memory_space<hbm>> -> memref<32x256xf32, #tpu.memory_space<hbm>>
      tpu.enqueue_dma source(%dma_start3A_317 : memref<32x256xf32, #tpu.memory_space<hbm>>) target(%dma_start3A_315 : memref<32x256xf32, #tpu.memory_space<vmem>>) target_semaphore(%dma_start3A_311 : memref<!tpu.dma_semaphore, #tpu.memory_space<semaphore_mem>>)
      %dma_start3A_318 = arith.constant 2 : i32
      %dma_start3A_319 = arith.constant 2 : i32
      %dma_start3A_320 = arith.constant 0 : i32
      %dma_start3A_321 = arith.constant 0 : i32
      %dma_start3A_322 = tpu.memref_slice %arg19[%dma_start3A_318, %dma_start3A_320, %dma_start3A_321] : memref<4x16x256xf32, #tpu.memory_space<vmem>> -> memref<1x16x256xf32, #tpu.memory_space<vmem>>
      %dma_start3A_323 = tpu.memref_squeeze %dma_start3A_322 : memref<1x16x256xf32, #tpu.memory_space<vmem>> -> memref<16x256xf32, #tpu.memory_space<vmem>>
      %dma_start3A_324 = arith.constant 0 : i32
      %dma_start3A_325 = tpu.memref_slice %arg7[%dma_start3A_324, %multiple_of3A] : memref<16x1000000xf32, #tpu.memory_space<hbm>> -> memref<16x256xf32, #tpu.memory_space<hbm>>
      %dma_start3A_326 = tpu.memref_slice %arg23[%dma_start3A_319] : memref<4x!tpu.dma_semaphore, #tpu.memory_space<semaphore_mem>> -> memref<1x!tpu.dma_semaphore, #tpu.memory_space<semaphore_mem>>
      %dma_start3A_327 = tpu.memref_squeeze %dma_start3A_326 : memref<1x!tpu.dma_semaphore, #tpu.memory_space<semaphore_mem>> -> memref<!tpu.dma_semaphore, #tpu.memory_space<semaphore_mem>>
      %dma_start3A_328 = arith.constant 0 : i32
      %dma_start3A_329 = arith.constant 0 : i32
      %dma_start3A_330 = tpu.memref_slice %arg19[%dma_start3A_318, %dma_start3A_328, %dma_start3A_329] : memref<4x16x256xf32, #tpu.memory_space<vmem>> -> memref<1x16x256xf32, #tpu.memory_space<vmem>>
      %dma_start3A_331 = tpu.memref_squeeze %dma_start3A_330 : memref<1x16x256xf32, #tpu.memory_space<vmem>> -> memref<16x256xf32, #tpu.memory_space<vmem>>
      %dma_start3A_332 = arith.constant 0 : i32
      %dma_start3A_333 = tpu.memref_slice %arg7[%dma_start3A_332, %multiple_of3A] : memref<16x1000000xf32, #tpu.memory_space<hbm>> -> memref<16x256xf32, #tpu.memory_space<hbm>>
      tpu.enqueue_dma source(%dma_start3A_333 : memref<16x256xf32, #tpu.memory_space<hbm>>) target(%dma_start3A_331 : memref<16x256xf32, #tpu.memory_space<vmem>>) target_semaphore(%dma_start3A_327 : memref<!tpu.dma_semaphore, #tpu.memory_space<semaphore_mem>>)
    } else {
    }
    %gt3A_196 = arith.constant 3 : i32
    %gt3A_197 = arith.cmpi sgt, %add3A_180, %gt3A_196 : i32
    %convert_element_type3A_198 = arith.extui %gt3A_197 : i1 to i32
    %cond3A_199 = arith.constant 0 : i32
    %cond3A_200 = arith.cmpi ne, %convert_element_type3A_198, %cond3A_199 : i32
    scf.if %cond3A_200 {
      %add3A_297 = arith.constant 6 : i32
      %add3A_298 = arith.addi %shift_right_arithmetic3A_147, %add3A_297 : i32
      %min3A = arith.constant 7810 : i32
      %min3A_299 = arith.minsi %add3A_298, %min3A : i32
      %mul3A_300 = arith.constant 128 : i32
      %mul3A_301 = arith.muli %min3A_299, %mul3A_300 : i32
      %multiple_of3A = tpu.assume_multiple %mul3A_301, 128 : i32
      %dma_start3A_302 = arith.constant 3 : i32
      %dma_start3A_303 = arith.constant 3 : i32
      %dma_start3A_304 = arith.constant 0 : i32
      %dma_start3A_305 = arith.constant 0 : i32
      %dma_start3A_306 = tpu.memref_slice %arg18[%dma_start3A_302, %dma_start3A_304, %dma_start3A_305] : memref<4x32x256xf32, #tpu.memory_space<vmem>> -> memref<1x32x256xf32, #tpu.memory_space<vmem>>
      %dma_start3A_307 = tpu.memref_squeeze %dma_start3A_306 : memref<1x32x256xf32, #tpu.memory_space<vmem>> -> memref<32x256xf32, #tpu.memory_space<vmem>>
      %dma_start3A_308 = arith.constant 0 : i32
      %dma_start3A_309 = tpu.memref_slice %arg9[%dma_start3A_308, %multiple_of3A] : memref<32x1000000xf32, #tpu.memory_space<hbm>> -> memref<32x256xf32, #tpu.memory_space<hbm>>
      %dma_start3A_310 = tpu.memref_slice %arg23[%dma_start3A_303] : memref<4x!tpu.dma_semaphore, #tpu.memory_space<semaphore_mem>> -> memref<1x!tpu.dma_semaphore, #tpu.memory_space<semaphore_mem>>
      %dma_start3A_311 = tpu.memref_squeeze %dma_start3A_310 : memref<1x!tpu.dma_semaphore, #tpu.memory_space<semaphore_mem>> -> memref<!tpu.dma_semaphore, #tpu.memory_space<semaphore_mem>>
      %dma_start3A_312 = arith.constant 0 : i32
      %dma_start3A_313 = arith.constant 0 : i32
      %dma_start3A_314 = tpu.memref_slice %arg18[%dma_start3A_302, %dma_start3A_312, %dma_start3A_313] : memref<4x32x256xf32, #tpu.memory_space<vmem>> -> memref<1x32x256xf32, #tpu.memory_space<vmem>>
      %dma_start3A_315 = tpu.memref_squeeze %dma_start3A_314 : memref<1x32x256xf32, #tpu.memory_space<vmem>> -> memref<32x256xf32, #tpu.memory_space<vmem>>
      %dma_start3A_316 = arith.constant 0 : i32
      %dma_start3A_317 = tpu.memref_slice %arg9[%dma_start3A_316, %multiple_of3A] : memref<32x1000000xf32, #tpu.memory_space<hbm>> -> memref<32x256xf32, #tpu.memory_space<hbm>>
      tpu.enqueue_dma source(%dma_start3A_317 : memref<32x256xf32, #tpu.memory_space<hbm>>) target(%dma_start3A_315 : memref<32x256xf32, #tpu.memory_space<vmem>>) target_semaphore(%dma_start3A_311 : memref<!tpu.dma_semaphore, #tpu.memory_space<semaphore_mem>>)
      %dma_start3A_318 = arith.constant 3 : i32
      %dma_start3A_319 = arith.constant 3 : i32
      %dma_start3A_320 = arith.constant 0 : i32
      %dma_start3A_321 = arith.constant 0 : i32
      %dma_start3A_322 = tpu.memref_slice %arg19[%dma_start3A_318, %dma_start3A_320, %dma_start3A_321] : memref<4x16x256xf32, #tpu.memory_space<vmem>> -> memref<1x16x256xf32, #tpu.memory_space<vmem>>
      %dma_start3A_323 = tpu.memref_squeeze %dma_start3A_322 : memref<1x16x256xf32, #tpu.memory_space<vmem>> -> memref<16x256xf32, #tpu.memory_space<vmem>>
      %dma_start3A_324 = arith.constant 0 : i32
      %dma_start3A_325 = tpu.memref_slice %arg7[%dma_start3A_324, %multiple_of3A] : memref<16x1000000xf32, #tpu.memory_space<hbm>> -> memref<16x256xf32, #tpu.memory_space<hbm>>
      %dma_start3A_326 = tpu.memref_slice %arg23[%dma_start3A_319] : memref<4x!tpu.dma_semaphore, #tpu.memory_space<semaphore_mem>> -> memref<1x!tpu.dma_semaphore, #tpu.memory_space<semaphore_mem>>
      %dma_start3A_327 = tpu.memref_squeeze %dma_start3A_326 : memref<1x!tpu.dma_semaphore, #tpu.memory_space<semaphore_mem>> -> memref<!tpu.dma_semaphore, #tpu.memory_space<semaphore_mem>>
      %dma_start3A_328 = arith.constant 0 : i32
      %dma_start3A_329 = arith.constant 0 : i32
      %dma_start3A_330 = tpu.memref_slice %arg19[%dma_start3A_318, %dma_start3A_328, %dma_start3A_329] : memref<4x16x256xf32, #tpu.memory_space<vmem>> -> memref<1x16x256xf32, #tpu.memory_space<vmem>>
      %dma_start3A_331 = tpu.memref_squeeze %dma_start3A_330 : memref<1x16x256xf32, #tpu.memory_space<vmem>> -> memref<16x256xf32, #tpu.memory_space<vmem>>
      %dma_start3A_332 = arith.constant 0 : i32
      %dma_start3A_333 = tpu.memref_slice %arg7[%dma_start3A_332, %multiple_of3A] : memref<16x1000000xf32, #tpu.memory_space<hbm>> -> memref<16x256xf32, #tpu.memory_space<hbm>>
      tpu.enqueue_dma source(%dma_start3A_333 : memref<16x256xf32, #tpu.memory_space<hbm>>) target(%dma_start3A_331 : memref<16x256xf32, #tpu.memory_space<vmem>>) target_semaphore(%dma_start3A_327 : memref<!tpu.dma_semaphore, #tpu.memory_space<semaphore_mem>>)
    } else {
    }
    %get3A_201 = arith.constant 0 : index
    %get3A_202 = tpu.vector_load %arg16[%get3A_201] {strides = array<i32>} : memref<544xi32, #tpu.memory_space<vmem>>, vector<16xi32>,
    %slice3A_203 = vector.extract_strided_slice %get3A_202 {offsets = [0], sizes = [1], strides = [1]} : vector<16xi32> to vector<1xi32>
    %squeeze3A_204 = vector.extract %slice3A_203[0] : i32 from vector<1xi32>
    %while3A_205 = arith.constant 0 : i32
    %while3A_206 = arith.constant 0 : i32
    %while3A_207 = arith.subi %add3A_180, %while3A_205 : i32
    %while3A_208 = arith.addi %while3A_205, %while3A_207 : i32
    %while3A_209 = arith.constant 1 : i32
    %while3A_210 = arith.divsi %while3A_207, %while3A_209 : i32
    %while3A_211 = arith.muli %while3A_210, %while3A_209 : i32
    %while3A_212 = arith.addi %while3A_205, %while3A_211 : i32
    %while3A_213 = arith.constant 1 : i32
    %while3A_214:2 = scf.for %while3A_297 = %while3A_205 to %while3A_212 step %while3A_213 iter_args(%while3A_298 = %while3A_206, %while3A_299 = %squeeze3A_204) -> (i32, i32)  : i32 {
      %rem3A_300 = arith.constant 4 : i32
      %rem3A_301 = arith.remsi %while3A_297, %rem3A_300 : i32
      %dma_wait3A_302 = arith.constant 0 : i32
      %dma_wait3A_303 = arith.constant 0 : i32
      %dma_wait3A_304 = tpu.memref_slice %arg18[%rem3A_301, %dma_wait3A_302, %dma_wait3A_303] : memref<4x32x256xf32, #tpu.memory_space<vmem>> -> memref<1x32x256xf32, #tpu.memory_space<vmem>>
      %dma_wait3A_305 = tpu.memref_squeeze %dma_wait3A_304 : memref<1x32x256xf32, #tpu.memory_space<vmem>> -> memref<32x256xf32, #tpu.memory_space<vmem>>
      %dma_wait3A_306 = arith.constant 0 : i32
      %dma_wait3A_307 = arith.constant 0 : i32
      %dma_wait3A_308 = tpu.memref_slice %arg9[%dma_wait3A_306, %dma_wait3A_307] : memref<32x1000000xf32, #tpu.memory_space<hbm>> -> memref<32x256xf32, #tpu.memory_space<hbm>>
      %dma_wait3A_309 = tpu.memref_slice %arg23[%rem3A_301] : memref<4x!tpu.dma_semaphore, #tpu.memory_space<semaphore_mem>> -> memref<1x!tpu.dma_semaphore, #tpu.memory_space<semaphore_mem>>
      %dma_wait3A_310 = tpu.memref_squeeze %dma_wait3A_309 : memref<1x!tpu.dma_semaphore, #tpu.memory_space<semaphore_mem>> -> memref<!tpu.dma_semaphore, #tpu.memory_space<semaphore_mem>>
      %dma_wait3A_311 = arith.constant 0 : i32
      %dma_wait3A_312 = arith.constant 0 : i32
      %dma_wait3A_313 = tpu.memref_slice %arg18[%rem3A_301, %dma_wait3A_311, %dma_wait3A_312] : memref<4x32x256xf32, #tpu.memory_space<vmem>> -> memref<1x32x256xf32, #tpu.memory_space<vmem>>
      %dma_wait3A_314 = tpu.memref_squeeze %dma_wait3A_313 : memref<1x32x256xf32, #tpu.memory_space<vmem>> -> memref<32x256xf32, #tpu.memory_space<vmem>>
      %dma_wait3A_315 = arith.constant 0 : i32
      %dma_wait3A_316 = arith.constant 0 : i32
      %dma_wait3A_317 = tpu.memref_slice %arg9[%dma_wait3A_315, %dma_wait3A_316] : memref<32x1000000xf32, #tpu.memory_space<hbm>> -> memref<32x256xf32, #tpu.memory_space<hbm>>
      tpu.wait_dma2 semaphore(%dma_wait3A_310 : memref<!tpu.dma_semaphore, #tpu.memory_space<semaphore_mem>>) src(%dma_wait3A_317 : memref<32x256xf32, #tpu.memory_space<hbm>>) dst(%dma_wait3A_314 : memref<32x256xf32, #tpu.memory_space<vmem>>)
      %dma_wait3A_318 = arith.constant 0 : i32
      %dma_wait3A_319 = arith.constant 0 : i32
      %dma_wait3A_320 = tpu.memref_slice %arg19[%rem3A_301, %dma_wait3A_318, %dma_wait3A_319] : memref<4x16x256xf32, #tpu.memory_space<vmem>> -> memref<1x16x256xf32, #tpu.memory_space<vmem>>
      %dma_wait3A_321 = tpu.memref_squeeze %dma_wait3A_320 : memref<1x16x256xf32, #tpu.memory_space<vmem>> -> memref<16x256xf32, #tpu.memory_space<vmem>>
      %dma_wait3A_322 = arith.constant 0 : i32
      %dma_wait3A_323 = arith.constant 0 : i32
      %dma_wait3A_324 = tpu.memref_slice %arg7[%dma_wait3A_322, %dma_wait3A_323] : memref<16x1000000xf32, #tpu.memory_space<hbm>> -> memref<16x256xf32, #tpu.memory_space<hbm>>
      %dma_wait3A_325 = tpu.memref_slice %arg23[%rem3A_301] : memref<4x!tpu.dma_semaphore, #tpu.memory_space<semaphore_mem>> -> memref<1x!tpu.dma_semaphore, #tpu.memory_space<semaphore_mem>>
      %dma_wait3A_326 = tpu.memref_squeeze %dma_wait3A_325 : memref<1x!tpu.dma_semaphore, #tpu.memory_space<semaphore_mem>> -> memref<!tpu.dma_semaphore, #tpu.memory_space<semaphore_mem>>
      %dma_wait3A_327 = arith.constant 0 : i32
      %dma_wait3A_328 = arith.constant 0 : i32
      %dma_wait3A_329 = tpu.memref_slice %arg19[%rem3A_301, %dma_wait3A_327, %dma_wait3A_328] : memref<4x16x256xf32, #tpu.memory_space<vmem>> -> memref<1x16x256xf32, #tpu.memory_space<vmem>>
      %dma_wait3A_330 = tpu.memref_squeeze %dma_wait3A_329 : memref<1x16x256xf32, #tpu.memory_space<vmem>> -> memref<16x256xf32, #tpu.memory_space<vmem>>
      %dma_wait3A_331 = arith.constant 0 : i32
      %dma_wait3A_332 = arith.constant 0 : i32
      %dma_wait3A_333 = tpu.memref_slice %arg7[%dma_wait3A_331, %dma_wait3A_332] : memref<16x1000000xf32, #tpu.memory_space<hbm>> -> memref<16x256xf32, #tpu.memory_space<hbm>>
      tpu.wait_dma2 semaphore(%dma_wait3A_326 : memref<!tpu.dma_semaphore, #tpu.memory_space<semaphore_mem>>) src(%dma_wait3A_333 : memref<16x256xf32, #tpu.memory_space<hbm>>) dst(%dma_wait3A_330 : memref<16x256xf32, #tpu.memory_space<vmem>>)
      %add3A_334 = arith.constant 1 : i32
      %add3A_335 = arith.addi %while3A_297, %add3A_334 : i32
      %mul3A_336 = arith.constant 2 : i32
      %mul3A_337 = arith.muli %mul3A_336, %add3A_335 : i32
      %add3A_338 = arith.addi %shift_right_arithmetic3A_147, %mul3A_337 : i32
      %mul3A_339 = arith.constant 128 : i32
      %mul3A_340 = arith.muli %add3A_338, %mul3A_339 : i32
      %mul3A_341 = arith.constant 2 : i32
      %mul3A_342 = arith.muli %mul3A_341, %while3A_297 : i32
      %add3A_343 = arith.addi %shift_right_arithmetic3A_147, %mul3A_342 : i32
      %min3A = arith.constant 7810 : i32
      %min3A_344 = arith.minsi %add3A_343, %min3A : i32
      %mul3A_345 = arith.constant 128 : i32
      %mul3A_346 = arith.muli %min3A_344, %mul3A_345 : i32
      %broadcast_in_dim3A = vector.broadcast %rem3A_301 : i32 to vector<16xi32>
      %while3A_347:2 = scf.while (%while3A_353 = %while3A_298, %while3A_354 = %while3A_299) : (i32, i32) -> (i32, i32) {
        %lt3A_355 = arith.constant 512 : i32
        %lt3A_356 = arith.cmpi slt, %while3A_353, %lt3A_355 : i32
        %lt3A_357 = arith.cmpi slt, %while3A_354, %mul3A_340 : i32
        %and3A_358 = arith.andi %lt3A_356, %lt3A_357 : i1
        scf.condition(%and3A_358) %while3A_353, %while3A_354 : i32, i32
      } do {
      ^bb0(%while3A_353: i32, %while3A_354: i32):
        %broadcast_in_dim3A_355 = vector.broadcast %while3A_354 : i32 to vector<16xi32>
        %sub3A_356 = vector.broadcast %mul3A_346 : i32 to vector<16xi32>
        %sub3A_357 = arith.subi %broadcast_in_dim3A_355, %sub3A_356 : vector<16xi32>
        %min3A_358 = arith.constant 255 : i32
        %min3A_359 = vector.broadcast %min3A_358 : i32 to vector<16xi32>
        %min3A_360 = arith.minsi %sub3A_357, %min3A_359 : vector<16xi32>
        %add3A_361 = arith.constant 0 : i32
        %add3A_362 = vector.broadcast %add3A_361 : i32 to vector<16xi32>
        %add3A_363 = arith.addi %iota3A, %add3A_362 : vector<16xi32>
        %gather3A = tpu.vector_load_idx %arg18[%broadcast_in_dim3A, %add3A_363, %min3A_360] : memref<4x32x256xf32, #tpu.memory_space<vmem>>[vector<16xi32>, vector<16xi32>, vector<16xi32>], vector<16xf32>,
        %swap3A = arith.index_cast %while3A_353 : i32 to index
        %swap3A_364 = arith.constant 0 : index
        %swap3A_365 = tpu.vector_load %arg20[%swap3A, %swap3A_364] {strides = array<i32>} : memref<512x128xf32, #tpu.memory_space<vmem>>, vector<16xf32>,
        tpu.vector_store %arg20[%swap3A, %swap3A_364], %gather3A {strides = array<i32>} : memref<512x128xf32, #tpu.memory_space<vmem>>, vector<16xf32>,
        %add3A_366 = arith.constant 16 : i32
        %add3A_367 = vector.broadcast %add3A_366 : i32 to vector<16xi32>
        %add3A_368 = arith.addi %iota3A, %add3A_367 : vector<16xi32>
        %gather3A_369 = tpu.vector_load_idx %arg18[%broadcast_in_dim3A, %add3A_368, %min3A_360] : memref<4x32x256xf32, #tpu.memory_space<vmem>>[vector<16xi32>, vector<16xi32>, vector<16xi32>], vector<16xf32>,
        %swap3A_370 = arith.index_cast %while3A_353 : i32 to index
        %swap3A_371 = arith.constant 16 : index
        %swap3A_372 = tpu.vector_load %arg20[%swap3A_370, %swap3A_371] {strides = array<i32>} : memref<512x128xf32, #tpu.memory_space<vmem>>, vector<16xf32>,
        tpu.vector_store %arg20[%swap3A_370, %swap3A_371], %gather3A_369 {strides = array<i32>} : memref<512x128xf32, #tpu.memory_space<vmem>>, vector<16xf32>,
        %gather3A_373 = tpu.vector_load_idx %arg19[%broadcast_in_dim3A, %iota3A, %min3A_360] : memref<4x16x256xf32, #tpu.memory_space<vmem>>[vector<16xi32>, vector<16xi32>, vector<16xi32>], vector<16xf32>,
        %swap3A_374 = arith.index_cast %while3A_353 : i32 to index
        %swap3A_375 = arith.constant 32 : index
        %swap3A_376 = tpu.vector_load %arg20[%swap3A_374, %swap3A_375] {strides = array<i32>} : memref<512x128xf32, #tpu.memory_space<vmem>>, vector<16xf32>,
        tpu.vector_store %arg20[%swap3A_374, %swap3A_375], %gather3A_373 {strides = array<i32>} : memref<512x128xf32, #tpu.memory_space<vmem>>, vector<16xf32>,
        %ge3A = arith.constant 999936 : i32
        %ge3A_377 = arith.cmpi sge, %while3A_354, %ge3A : i32
        %convert_element_type3A_378 = arith.extui %ge3A_377 : i1 to i32
        %cond3A_379 = arith.constant 0 : i32
        %cond3A_380 = arith.cmpi ne, %convert_element_type3A_378, %cond3A_379 : i32
        scf.if %cond3A_380 {
          %sub3A_389 = arith.constant 999936 : i32
          %sub3A_390 = vector.broadcast %sub3A_389 : i32 to vector<16xi32>
          %sub3A_391 = arith.subi %broadcast_in_dim3A_355, %sub3A_390 : vector<16xi32>
          %add3A_392 = arith.constant 0 : i32
          %add3A_393 = vector.broadcast %add3A_392 : i32 to vector<16xi32>
          %add3A_394 = arith.addi %iota3A, %add3A_393 : vector<16xi32>
          %gather3A_395 = tpu.vector_load_idx %arg21[%add3A_394, %sub3A_391] : memref<32x64xf32, #tpu.memory_space<vmem>>[vector<16xi32>, vector<16xi32>], vector<16xf32>,
          %swap3A_396 = arith.index_cast %while3A_353 : i32 to index
          %swap3A_397 = arith.constant 0 : index
          %swap3A_398 = tpu.vector_load %arg20[%swap3A_396, %swap3A_397] {strides = array<i32>} : memref<512x128xf32, #tpu.memory_space<vmem>>, vector<16xf32>,
          tpu.vector_store %arg20[%swap3A_396, %swap3A_397], %gather3A_395 {strides = array<i32>} : memref<512x128xf32, #tpu.memory_space<vmem>>, vector<16xf32>,
          %add3A_399 = arith.constant 16 : i32
          %add3A_400 = vector.broadcast %add3A_399 : i32 to vector<16xi32>
          %add3A_401 = arith.addi %iota3A, %add3A_400 : vector<16xi32>
          %gather3A_402 = tpu.vector_load_idx %arg21[%add3A_401, %sub3A_391] : memref<32x64xf32, #tpu.memory_space<vmem>>[vector<16xi32>, vector<16xi32>], vector<16xf32>,
          %swap3A_403 = arith.index_cast %while3A_353 : i32 to index
          %swap3A_404 = arith.constant 16 : index
          %swap3A_405 = tpu.vector_load %arg20[%swap3A_403, %swap3A_404] {strides = array<i32>} : memref<512x128xf32, #tpu.memory_space<vmem>>, vector<16xf32>,
          tpu.vector_store %arg20[%swap3A_403, %swap3A_404], %gather3A_402 {strides = array<i32>} : memref<512x128xf32, #tpu.memory_space<vmem>>, vector<16xf32>,
          %gather3A_406 = tpu.vector_load_idx %arg22[%iota3A, %sub3A_391] : memref<16x64xf32, #tpu.memory_space<vmem>>[vector<16xi32>, vector<16xi32>], vector<16xf32>,
          %swap3A_407 = arith.index_cast %while3A_353 : i32 to index
          %swap3A_408 = arith.constant 32 : index
          %swap3A_409 = tpu.vector_load %arg20[%swap3A_407, %swap3A_408] {strides = array<i32>} : memref<512x128xf32, #tpu.memory_space<vmem>>, vector<16xf32>,
          tpu.vector_store %arg20[%swap3A_407, %swap3A_408], %gather3A_406 {strides = array<i32>} : memref<512x128xf32, #tpu.memory_space<vmem>>, vector<16xf32>,
        } else {
        }
        %add3A_381 = arith.constant 1 : i32
        %add3A_382 = arith.addi %while3A_353, %add3A_381 : i32
        %min3A_383 = arith.constant 511 : i32
        %min3A_384 = arith.minsi %add3A_382, %min3A_383 : i32
        %get3A_385 = arith.index_cast %min3A_384 : i32 to index
        %get3A_386 = tpu.vector_load %arg16[%get3A_385] {strides = array<i32>} : memref<544xi32, #tpu.memory_space<vmem>>, vector<16xi32>,
        %slice3A_387 = vector.extract_strided_slice %get3A_386 {offsets = [0], sizes = [1], strides = [1]} : vector<16xi32> to vector<1xi32>
        %squeeze3A_388 = vector.extract %slice3A_387[0] : i32 from vector<1xi32>
        scf.yield %add3A_382, %squeeze3A_388 : i32, i32
      }
      %add3A_348 = arith.constant 4 : i32
      %add3A_349 = arith.addi %while3A_297, %add3A_348 : i32
      %lt3A = arith.cmpi slt, %add3A_349, %add3A_180 : i32
      %convert_element_type3A_350 = arith.extui %lt3A : i1 to i32
      %cond3A_351 = arith.constant 0 : i32
      %cond3A_352 = arith.cmpi ne, %convert_element_type3A_350, %cond3A_351 : i32
      scf.if %cond3A_352 {
        %add3A_353 = arith.constant 4 : i32
        %add3A_354 = arith.addi %while3A_297, %add3A_353 : i32
        %mul3A_355 = arith.constant 2 : i32
        %mul3A_356 = arith.muli %mul3A_355, %add3A_354 : i32
        %add3A_357 = arith.addi %shift_right_arithmetic3A_147, %mul3A_356 : i32
        %min3A_358 = arith.constant 7810 : i32
        %min3A_359 = arith.minsi %add3A_357, %min3A_358 : i32
        %mul3A_360 = arith.constant 128 : i32
        %mul3A_361 = arith.muli %min3A_359, %mul3A_360 : i32
        %multiple_of3A = tpu.assume_multiple %mul3A_361, 128 : i32
        %dma_start3A_362 = arith.constant 0 : i32
        %dma_start3A_363 = arith.constant 0 : i32
        %dma_start3A_364 = tpu.memref_slice %arg18[%rem3A_301, %dma_start3A_362, %dma_start3A_363] : memref<4x32x256xf32, #tpu.memory_space<vmem>> -> memref<1x32x256xf32, #tpu.memory_space<vmem>>
        %dma_start3A_365 = tpu.memref_squeeze %dma_start3A_364 : memref<1x32x256xf32, #tpu.memory_space<vmem>> -> memref<32x256xf32, #tpu.memory_space<vmem>>
        %dma_start3A_366 = arith.constant 0 : i32
        %dma_start3A_367 = tpu.memref_slice %arg9[%dma_start3A_366, %multiple_of3A] : memref<32x1000000xf32, #tpu.memory_space<hbm>> -> memref<32x256xf32, #tpu.memory_space<hbm>>
        %dma_start3A_368 = tpu.memref_slice %arg23[%rem3A_301] : memref<4x!tpu.dma_semaphore, #tpu.memory_space<semaphore_mem>> -> memref<1x!tpu.dma_semaphore, #tpu.memory_space<semaphore_mem>>
        %dma_start3A_369 = tpu.memref_squeeze %dma_start3A_368 : memref<1x!tpu.dma_semaphore, #tpu.memory_space<semaphore_mem>> -> memref<!tpu.dma_semaphore, #tpu.memory_space<semaphore_mem>>
        %dma_start3A_370 = arith.constant 0 : i32
        %dma_start3A_371 = arith.constant 0 : i32
        %dma_start3A_372 = tpu.memref_slice %arg18[%rem3A_301, %dma_start3A_370, %dma_start3A_371] : memref<4x32x256xf32, #tpu.memory_space<vmem>> -> memref<1x32x256xf32, #tpu.memory_space<vmem>>
        %dma_start3A_373 = tpu.memref_squeeze %dma_start3A_372 : memref<1x32x256xf32, #tpu.memory_space<vmem>> -> memref<32x256xf32, #tpu.memory_space<vmem>>
        %dma_start3A_374 = arith.constant 0 : i32
        %dma_start3A_375 = tpu.memref_slice %arg9[%dma_start3A_374, %multiple_of3A] : memref<32x1000000xf32, #tpu.memory_space<hbm>> -> memref<32x256xf32, #tpu.memory_space<hbm>>
        tpu.enqueue_dma source(%dma_start3A_375 : memref<32x256xf32, #tpu.memory_space<hbm>>) target(%dma_start3A_373 : memref<32x256xf32, #tpu.memory_space<vmem>>) target_semaphore(%dma_start3A_369 : memref<!tpu.dma_semaphore, #tpu.memory_space<semaphore_mem>>)
        %dma_start3A_376 = arith.constant 0 : i32
        %dma_start3A_377 = arith.constant 0 : i32
        %dma_start3A_378 = tpu.memref_slice %arg19[%rem3A_301, %dma_start3A_376, %dma_start3A_377] : memref<4x16x256xf32, #tpu.memory_space<vmem>> -> memref<1x16x256xf32, #tpu.memory_space<vmem>>
        %dma_start3A_379 = tpu.memref_squeeze %dma_start3A_378 : memref<1x16x256xf32, #tpu.memory_space<vmem>> -> memref<16x256xf32, #tpu.memory_space<vmem>>
        %dma_start3A_380 = arith.constant 0 : i32
        %dma_start3A_381 = tpu.memref_slice %arg7[%dma_start3A_380, %multiple_of3A] : memref<16x1000000xf32, #tpu.memory_space<hbm>> -> memref<16x256xf32, #tpu.memory_space<hbm>>
        %dma_start3A_382 = tpu.memref_slice %arg23[%rem3A_301] : memref<4x!tpu.dma_semaphore, #tpu.memory_space<semaphore_mem>> -> memref<1x!tpu.dma_semaphore, #tpu.memory_space<semaphore_mem>>
        %dma_start3A_383 = tpu.memref_squeeze %dma_start3A_382 : memref<1x!tpu.dma_semaphore, #tpu.memory_space<semaphore_mem>> -> memref<!tpu.dma_semaphore, #tpu.memory_space<semaphore_mem>>
        %dma_start3A_384 = arith.constant 0 : i32
        %dma_start3A_385 = arith.constant 0 : i32
        %dma_start3A_386 = tpu.memref_slice %arg19[%rem3A_301, %dma_start3A_384, %dma_start3A_385] : memref<4x16x256xf32, #tpu.memory_space<vmem>> -> memref<1x16x256xf32, #tpu.memory_space<vmem>>
        %dma_start3A_387 = tpu.memref_squeeze %dma_start3A_386 : memref<1x16x256xf32, #tpu.memory_space<vmem>> -> memref<16x256xf32, #tpu.memory_space<vmem>>
        %dma_start3A_388 = arith.constant 0 : i32
        %dma_start3A_389 = tpu.memref_slice %arg7[%dma_start3A_388, %multiple_of3A] : memref<16x1000000xf32, #tpu.memory_space<hbm>> -> memref<16x256xf32, #tpu.memory_space<hbm>>
        tpu.enqueue_dma source(%dma_start3A_389 : memref<16x256xf32, #tpu.memory_space<hbm>>) target(%dma_start3A_387 : memref<16x256xf32, #tpu.memory_space<vmem>>) target_semaphore(%dma_start3A_383 : memref<!tpu.dma_semaphore, #tpu.memory_space<semaphore_mem>>)
      } else {
      }
      scf.yield %while3A_347#0, %while3A_347#1 : i32, i32
    }
    %while3A_215 = arith.constant 1 : i32
    %while3A_216:2 = scf.for %while3A_297 = %while3A_212 to %while3A_208 step %while3A_215 iter_args(%while3A_298 = %while3A_214#0, %while3A_299 = %while3A_214#1) -> (i32, i32)  : i32 {
      %rem3A_300 = arith.constant 4 : i32
      %rem3A_301 = arith.remsi %while3A_297, %rem3A_300 : i32
      %dma_wait3A_302 = arith.constant 0 : i32
      %dma_wait3A_303 = arith.constant 0 : i32
      %dma_wait3A_304 = tpu.memref_slice %arg18[%rem3A_301, %dma_wait3A_302, %dma_wait3A_303] : memref<4x32x256xf32, #tpu.memory_space<vmem>> -> memref<1x32x256xf32, #tpu.memory_space<vmem>>
      %dma_wait3A_305 = tpu.memref_squeeze %dma_wait3A_304 : memref<1x32x256xf32, #tpu.memory_space<vmem>> -> memref<32x256xf32, #tpu.memory_space<vmem>>
      %dma_wait3A_306 = arith.constant 0 : i32
      %dma_wait3A_307 = arith.constant 0 : i32
      %dma_wait3A_308 = tpu.memref_slice %arg9[%dma_wait3A_306, %dma_wait3A_307] : memref<32x1000000xf32, #tpu.memory_space<hbm>> -> memref<32x256xf32, #tpu.memory_space<hbm>>
      %dma_wait3A_309 = tpu.memref_slice %arg23[%rem3A_301] : memref<4x!tpu.dma_semaphore, #tpu.memory_space<semaphore_mem>> -> memref<1x!tpu.dma_semaphore, #tpu.memory_space<semaphore_mem>>
      %dma_wait3A_310 = tpu.memref_squeeze %dma_wait3A_309 : memref<1x!tpu.dma_semaphore, #tpu.memory_space<semaphore_mem>> -> memref<!tpu.dma_semaphore, #tpu.memory_space<semaphore_mem>>
      %dma_wait3A_311 = arith.constant 0 : i32
      %dma_wait3A_312 = arith.constant 0 : i32
      %dma_wait3A_313 = tpu.memref_slice %arg18[%rem3A_301, %dma_wait3A_311, %dma_wait3A_312] : memref<4x32x256xf32, #tpu.memory_space<vmem>> -> memref<1x32x256xf32, #tpu.memory_space<vmem>>
      %dma_wait3A_314 = tpu.memref_squeeze %dma_wait3A_313 : memref<1x32x256xf32, #tpu.memory_space<vmem>> -> memref<32x256xf32, #tpu.memory_space<vmem>>
      %dma_wait3A_315 = arith.constant 0 : i32
      %dma_wait3A_316 = arith.constant 0 : i32
      %dma_wait3A_317 = tpu.memref_slice %arg9[%dma_wait3A_315, %dma_wait3A_316] : memref<32x1000000xf32, #tpu.memory_space<hbm>> -> memref<32x256xf32, #tpu.memory_space<hbm>>
      tpu.wait_dma2 semaphore(%dma_wait3A_310 : memref<!tpu.dma_semaphore, #tpu.memory_space<semaphore_mem>>) src(%dma_wait3A_317 : memref<32x256xf32, #tpu.memory_space<hbm>>) dst(%dma_wait3A_314 : memref<32x256xf32, #tpu.memory_space<vmem>>)
      %dma_wait3A_318 = arith.constant 0 : i32
      %dma_wait3A_319 = arith.constant 0 : i32
      %dma_wait3A_320 = tpu.memref_slice %arg19[%rem3A_301, %dma_wait3A_318, %dma_wait3A_319] : memref<4x16x256xf32, #tpu.memory_space<vmem>> -> memref<1x16x256xf32, #tpu.memory_space<vmem>>
      %dma_wait3A_321 = tpu.memref_squeeze %dma_wait3A_320 : memref<1x16x256xf32, #tpu.memory_space<vmem>> -> memref<16x256xf32, #tpu.memory_space<vmem>>
      %dma_wait3A_322 = arith.constant 0 : i32
      %dma_wait3A_323 = arith.constant 0 : i32
      %dma_wait3A_324 = tpu.memref_slice %arg7[%dma_wait3A_322, %dma_wait3A_323] : memref<16x1000000xf32, #tpu.memory_space<hbm>> -> memref<16x256xf32, #tpu.memory_space<hbm>>
      %dma_wait3A_325 = tpu.memref_slice %arg23[%rem3A_301] : memref<4x!tpu.dma_semaphore, #tpu.memory_space<semaphore_mem>> -> memref<1x!tpu.dma_semaphore, #tpu.memory_space<semaphore_mem>>
      %dma_wait3A_326 = tpu.memref_squeeze %dma_wait3A_325 : memref<1x!tpu.dma_semaphore, #tpu.memory_space<semaphore_mem>> -> memref<!tpu.dma_semaphore, #tpu.memory_space<semaphore_mem>>
      %dma_wait3A_327 = arith.constant 0 : i32
      %dma_wait3A_328 = arith.constant 0 : i32
      %dma_wait3A_329 = tpu.memref_slice %arg19[%rem3A_301, %dma_wait3A_327, %dma_wait3A_328] : memref<4x16x256xf32, #tpu.memory_space<vmem>> -> memref<1x16x256xf32, #tpu.memory_space<vmem>>
      %dma_wait3A_330 = tpu.memref_squeeze %dma_wait3A_329 : memref<1x16x256xf32, #tpu.memory_space<vmem>> -> memref<16x256xf32, #tpu.memory_space<vmem>>
      %dma_wait3A_331 = arith.constant 0 : i32
      %dma_wait3A_332 = arith.constant 0 : i32
      %dma_wait3A_333 = tpu.memref_slice %arg7[%dma_wait3A_331, %dma_wait3A_332] : memref<16x1000000xf32, #tpu.memory_space<hbm>> -> memref<16x256xf32, #tpu.memory_space<hbm>>
      tpu.wait_dma2 semaphore(%dma_wait3A_326 : memref<!tpu.dma_semaphore, #tpu.memory_space<semaphore_mem>>) src(%dma_wait3A_333 : memref<16x256xf32, #tpu.memory_space<hbm>>) dst(%dma_wait3A_330 : memref<16x256xf32, #tpu.memory_space<vmem>>)
      %add3A_334 = arith.constant 1 : i32
      %add3A_335 = arith.addi %while3A_297, %add3A_334 : i32
      %mul3A_336 = arith.constant 2 : i32
      %mul3A_337 = arith.muli %mul3A_336, %add3A_335 : i32
      %add3A_338 = arith.addi %shift_right_arithmetic3A_147, %mul3A_337 : i32
      %mul3A_339 = arith.constant 128 : i32
      %mul3A_340 = arith.muli %add3A_338, %mul3A_339 : i32
      %mul3A_341 = arith.constant 2 : i32
      %mul3A_342 = arith.muli %mul3A_341, %while3A_297 : i32
      %add3A_343 = arith.addi %shift_right_arithmetic3A_147, %mul3A_342 : i32
      %min3A = arith.constant 7810 : i32
      %min3A_344 = arith.minsi %add3A_343, %min3A : i32
      %mul3A_345 = arith.constant 128 : i32
      %mul3A_346 = arith.muli %min3A_344, %mul3A_345 : i32
      %broadcast_in_dim3A = vector.broadcast %rem3A_301 : i32 to vector<16xi32>
      %while3A_347:2 = scf.while (%while3A_353 = %while3A_298, %while3A_354 = %while3A_299) : (i32, i32) -> (i32, i32) {
        %lt3A_355 = arith.constant 512 : i32
        %lt3A_356 = arith.cmpi slt, %while3A_353, %lt3A_355 : i32
        %lt3A_357 = arith.cmpi slt, %while3A_354, %mul3A_340 : i32
        %and3A_358 = arith.andi %lt3A_356, %lt3A_357 : i1
        scf.condition(%and3A_358) %while3A_353, %while3A_354 : i32, i32
      } do {
      ^bb0(%while3A_353: i32, %while3A_354: i32):
        %broadcast_in_dim3A_355 = vector.broadcast %while3A_354 : i32 to vector<16xi32>
        %sub3A_356 = vector.broadcast %mul3A_346 : i32 to vector<16xi32>
        %sub3A_357 = arith.subi %broadcast_in_dim3A_355, %sub3A_356 : vector<16xi32>
        %min3A_358 = arith.constant 255 : i32
        %min3A_359 = vector.broadcast %min3A_358 : i32 to vector<16xi32>
        %min3A_360 = arith.minsi %sub3A_357, %min3A_359 : vector<16xi32>
        %add3A_361 = arith.constant 0 : i32
        %add3A_362 = vector.broadcast %add3A_361 : i32 to vector<16xi32>
        %add3A_363 = arith.addi %iota3A, %add3A_362 : vector<16xi32>
        %gather3A = tpu.vector_load_idx %arg18[%broadcast_in_dim3A, %add3A_363, %min3A_360] : memref<4x32x256xf32, #tpu.memory_space<vmem>>[vector<16xi32>, vector<16xi32>, vector<16xi32>], vector<16xf32>,
        %swap3A = arith.index_cast %while3A_353 : i32 to index
        %swap3A_364 = arith.constant 0 : index
        %swap3A_365 = tpu.vector_load %arg20[%swap3A, %swap3A_364] {strides = array<i32>} : memref<512x128xf32, #tpu.memory_space<vmem>>, vector<16xf32>,
        tpu.vector_store %arg20[%swap3A, %swap3A_364], %gather3A {strides = array<i32>} : memref<512x128xf32, #tpu.memory_space<vmem>>, vector<16xf32>,
        %add3A_366 = arith.constant 16 : i32
        %add3A_367 = vector.broadcast %add3A_366 : i32 to vector<16xi32>
        %add3A_368 = arith.addi %iota3A, %add3A_367 : vector<16xi32>
        %gather3A_369 = tpu.vector_load_idx %arg18[%broadcast_in_dim3A, %add3A_368, %min3A_360] : memref<4x32x256xf32, #tpu.memory_space<vmem>>[vector<16xi32>, vector<16xi32>, vector<16xi32>], vector<16xf32>,
        %swap3A_370 = arith.index_cast %while3A_353 : i32 to index
        %swap3A_371 = arith.constant 16 : index
        %swap3A_372 = tpu.vector_load %arg20[%swap3A_370, %swap3A_371] {strides = array<i32>} : memref<512x128xf32, #tpu.memory_space<vmem>>, vector<16xf32>,
        tpu.vector_store %arg20[%swap3A_370, %swap3A_371], %gather3A_369 {strides = array<i32>} : memref<512x128xf32, #tpu.memory_space<vmem>>, vector<16xf32>,
        %gather3A_373 = tpu.vector_load_idx %arg19[%broadcast_in_dim3A, %iota3A, %min3A_360] : memref<4x16x256xf32, #tpu.memory_space<vmem>>[vector<16xi32>, vector<16xi32>, vector<16xi32>], vector<16xf32>,
        %swap3A_374 = arith.index_cast %while3A_353 : i32 to index
        %swap3A_375 = arith.constant 32 : index
        %swap3A_376 = tpu.vector_load %arg20[%swap3A_374, %swap3A_375] {strides = array<i32>} : memref<512x128xf32, #tpu.memory_space<vmem>>, vector<16xf32>,
        tpu.vector_store %arg20[%swap3A_374, %swap3A_375], %gather3A_373 {strides = array<i32>} : memref<512x128xf32, #tpu.memory_space<vmem>>, vector<16xf32>,
        %ge3A = arith.constant 999936 : i32
        %ge3A_377 = arith.cmpi sge, %while3A_354, %ge3A : i32
        %convert_element_type3A_378 = arith.extui %ge3A_377 : i1 to i32
        %cond3A_379 = arith.constant 0 : i32
        %cond3A_380 = arith.cmpi ne, %convert_element_type3A_378, %cond3A_379 : i32
        scf.if %cond3A_380 {
          %sub3A_389 = arith.constant 999936 : i32
          %sub3A_390 = vector.broadcast %sub3A_389 : i32 to vector<16xi32>
          %sub3A_391 = arith.subi %broadcast_in_dim3A_355, %sub3A_390 : vector<16xi32>
          %add3A_392 = arith.constant 0 : i32
          %add3A_393 = vector.broadcast %add3A_392 : i32 to vector<16xi32>
          %add3A_394 = arith.addi %iota3A, %add3A_393 : vector<16xi32>
          %gather3A_395 = tpu.vector_load_idx %arg21[%add3A_394, %sub3A_391] : memref<32x64xf32, #tpu.memory_space<vmem>>[vector<16xi32>, vector<16xi32>], vector<16xf32>,
          %swap3A_396 = arith.index_cast %while3A_353 : i32 to index
          %swap3A_397 = arith.constant 0 : index
          %swap3A_398 = tpu.vector_load %arg20[%swap3A_396, %swap3A_397] {strides = array<i32>} : memref<512x128xf32, #tpu.memory_space<vmem>>, vector<16xf32>,
          tpu.vector_store %arg20[%swap3A_396, %swap3A_397], %gather3A_395 {strides = array<i32>} : memref<512x128xf32, #tpu.memory_space<vmem>>, vector<16xf32>,
          %add3A_399 = arith.constant 16 : i32
          %add3A_400 = vector.broadcast %add3A_399 : i32 to vector<16xi32>
          %add3A_401 = arith.addi %iota3A, %add3A_400 : vector<16xi32>
          %gather3A_402 = tpu.vector_load_idx %arg21[%add3A_401, %sub3A_391] : memref<32x64xf32, #tpu.memory_space<vmem>>[vector<16xi32>, vector<16xi32>], vector<16xf32>,
          %swap3A_403 = arith.index_cast %while3A_353 : i32 to index
          %swap3A_404 = arith.constant 16 : index
          %swap3A_405 = tpu.vector_load %arg20[%swap3A_403, %swap3A_404] {strides = array<i32>} : memref<512x128xf32, #tpu.memory_space<vmem>>, vector<16xf32>,
          tpu.vector_store %arg20[%swap3A_403, %swap3A_404], %gather3A_402 {strides = array<i32>} : memref<512x128xf32, #tpu.memory_space<vmem>>, vector<16xf32>,
          %gather3A_406 = tpu.vector_load_idx %arg22[%iota3A, %sub3A_391] : memref<16x64xf32, #tpu.memory_space<vmem>>[vector<16xi32>, vector<16xi32>], vector<16xf32>,
          %swap3A_407 = arith.index_cast %while3A_353 : i32 to index
          %swap3A_408 = arith.constant 32 : index
          %swap3A_409 = tpu.vector_load %arg20[%swap3A_407, %swap3A_408] {strides = array<i32>} : memref<512x128xf32, #tpu.memory_space<vmem>>, vector<16xf32>,
          tpu.vector_store %arg20[%swap3A_407, %swap3A_408], %gather3A_406 {strides = array<i32>} : memref<512x128xf32, #tpu.memory_space<vmem>>, vector<16xf32>,
        } else {
        }
        %add3A_381 = arith.constant 1 : i32
        %add3A_382 = arith.addi %while3A_353, %add3A_381 : i32
        %min3A_383 = arith.constant 511 : i32
        %min3A_384 = arith.minsi %add3A_382, %min3A_383 : i32
        %get3A_385 = arith.index_cast %min3A_384 : i32 to index
        %get3A_386 = tpu.vector_load %arg16[%get3A_385] {strides = array<i32>} : memref<544xi32, #tpu.memory_space<vmem>>, vector<16xi32>,
        %slice3A_387 = vector.extract_strided_slice %get3A_386 {offsets = [0], sizes = [1], strides = [1]} : vector<16xi32> to vector<1xi32>
        %squeeze3A_388 = vector.extract %slice3A_387[0] : i32 from vector<1xi32>
        scf.yield %add3A_382, %squeeze3A_388 : i32, i32
      }
      %add3A_348 = arith.constant 4 : i32
      %add3A_349 = arith.addi %while3A_297, %add3A_348 : i32
      %lt3A = arith.cmpi slt, %add3A_349, %add3A_180 : i32
      %convert_element_type3A_350 = arith.extui %lt3A : i1 to i32
      %cond3A_351 = arith.constant 0 : i32
      %cond3A_352 = arith.cmpi ne, %convert_element_type3A_350, %cond3A_351 : i32
      scf.if %cond3A_352 {
        %add3A_353 = arith.constant 4 : i32
        %add3A_354 = arith.addi %while3A_297, %add3A_353 : i32
        %mul3A_355 = arith.constant 2 : i32
        %mul3A_356 = arith.muli %mul3A_355, %add3A_354 : i32
        %add3A_357 = arith.addi %shift_right_arithmetic3A_147, %mul3A_356 : i32
        %min3A_358 = arith.constant 7810 : i32
        %min3A_359 = arith.minsi %add3A_357, %min3A_358 : i32
        %mul3A_360 = arith.constant 128 : i32
        %mul3A_361 = arith.muli %min3A_359, %mul3A_360 : i32
        %multiple_of3A = tpu.assume_multiple %mul3A_361, 128 : i32
        %dma_start3A_362 = arith.constant 0 : i32
        %dma_start3A_363 = arith.constant 0 : i32
        %dma_start3A_364 = tpu.memref_slice %arg18[%rem3A_301, %dma_start3A_362, %dma_start3A_363] : memref<4x32x256xf32, #tpu.memory_space<vmem>> -> memref<1x32x256xf32, #tpu.memory_space<vmem>>
        %dma_start3A_365 = tpu.memref_squeeze %dma_start3A_364 : memref<1x32x256xf32, #tpu.memory_space<vmem>> -> memref<32x256xf32, #tpu.memory_space<vmem>>
        %dma_start3A_366 = arith.constant 0 : i32
        %dma_start3A_367 = tpu.memref_slice %arg9[%dma_start3A_366, %multiple_of3A] : memref<32x1000000xf32, #tpu.memory_space<hbm>> -> memref<32x256xf32, #tpu.memory_space<hbm>>
        %dma_start3A_368 = tpu.memref_slice %arg23[%rem3A_301] : memref<4x!tpu.dma_semaphore, #tpu.memory_space<semaphore_mem>> -> memref<1x!tpu.dma_semaphore, #tpu.memory_space<semaphore_mem>>
        %dma_start3A_369 = tpu.memref_squeeze %dma_start3A_368 : memref<1x!tpu.dma_semaphore, #tpu.memory_space<semaphore_mem>> -> memref<!tpu.dma_semaphore, #tpu.memory_space<semaphore_mem>>
        %dma_start3A_370 = arith.constant 0 : i32
        %dma_start3A_371 = arith.constant 0 : i32
        %dma_start3A_372 = tpu.memref_slice %arg18[%rem3A_301, %dma_start3A_370, %dma_start3A_371] : memref<4x32x256xf32, #tpu.memory_space<vmem>> -> memref<1x32x256xf32, #tpu.memory_space<vmem>>
        %dma_start3A_373 = tpu.memref_squeeze %dma_start3A_372 : memref<1x32x256xf32, #tpu.memory_space<vmem>> -> memref<32x256xf32, #tpu.memory_space<vmem>>
        %dma_start3A_374 = arith.constant 0 : i32
        %dma_start3A_375 = tpu.memref_slice %arg9[%dma_start3A_374, %multiple_of3A] : memref<32x1000000xf32, #tpu.memory_space<hbm>> -> memref<32x256xf32, #tpu.memory_space<hbm>>
        tpu.enqueue_dma source(%dma_start3A_375 : memref<32x256xf32, #tpu.memory_space<hbm>>) target(%dma_start3A_373 : memref<32x256xf32, #tpu.memory_space<vmem>>) target_semaphore(%dma_start3A_369 : memref<!tpu.dma_semaphore, #tpu.memory_space<semaphore_mem>>)
        %dma_start3A_376 = arith.constant 0 : i32
        %dma_start3A_377 = arith.constant 0 : i32
        %dma_start3A_378 = tpu.memref_slice %arg19[%rem3A_301, %dma_start3A_376, %dma_start3A_377] : memref<4x16x256xf32, #tpu.memory_space<vmem>> -> memref<1x16x256xf32, #tpu.memory_space<vmem>>
        %dma_start3A_379 = tpu.memref_squeeze %dma_start3A_378 : memref<1x16x256xf32, #tpu.memory_space<vmem>> -> memref<16x256xf32, #tpu.memory_space<vmem>>
        %dma_start3A_380 = arith.constant 0 : i32
        %dma_start3A_381 = tpu.memref_slice %arg7[%dma_start3A_380, %multiple_of3A] : memref<16x1000000xf32, #tpu.memory_space<hbm>> -> memref<16x256xf32, #tpu.memory_space<hbm>>
        %dma_start3A_382 = tpu.memref_slice %arg23[%rem3A_301] : memref<4x!tpu.dma_semaphore, #tpu.memory_space<semaphore_mem>> -> memref<1x!tpu.dma_semaphore, #tpu.memory_space<semaphore_mem>>
        %dma_start3A_383 = tpu.memref_squeeze %dma_start3A_382 : memref<1x!tpu.dma_semaphore, #tpu.memory_space<semaphore_mem>> -> memref<!tpu.dma_semaphore, #tpu.memory_space<semaphore_mem>>
        %dma_start3A_384 = arith.constant 0 : i32
        %dma_start3A_385 = arith.constant 0 : i32
        %dma_start3A_386 = tpu.memref_slice %arg19[%rem3A_301, %dma_start3A_384, %dma_start3A_385] : memref<4x16x256xf32, #tpu.memory_space<vmem>> -> memref<1x16x256xf32, #tpu.memory_space<vmem>>
        %dma_start3A_387 = tpu.memref_squeeze %dma_start3A_386 : memref<1x16x256xf32, #tpu.memory_space<vmem>> -> memref<16x256xf32, #tpu.memory_space<vmem>>
        %dma_start3A_388 = arith.constant 0 : i32
        %dma_start3A_389 = tpu.memref_slice %arg7[%dma_start3A_388, %multiple_of3A] : memref<16x1000000xf32, #tpu.memory_space<hbm>> -> memref<16x256xf32, #tpu.memory_space<hbm>>
        tpu.enqueue_dma source(%dma_start3A_389 : memref<16x256xf32, #tpu.memory_space<hbm>>) target(%dma_start3A_387 : memref<16x256xf32, #tpu.memory_space<vmem>>) target_semaphore(%dma_start3A_383 : memref<!tpu.dma_semaphore, #tpu.memory_space<semaphore_mem>>)
      } else {
      }
      scf.yield %while3A_347#0, %while3A_347#1 : i32, i32
    }
    %dma_start3A_217 = arith.constant 0 : i32
    %dma_start3A_218 = arith.constant 0 : i32
    %dma_start3A_219 = arith.constant 0 : i32
    %dma_start3A_220 = tpu.memref_slice %arg20[%dma_start3A_218, %dma_start3A_219] : memref<512x128xf32, #tpu.memory_space<vmem>> -> memref<128x128xf32, #tpu.memory_space<vmem>>
    %dma_start3A_221 = arith.constant 0 : i32
    %dma_start3A_222 = tpu.memref_slice %arg17[%dma_start3A_217, %dma_start3A_221] : memref<4x128xi32, #tpu.memory_space<vmem>> -> memref<1x128xi32, #tpu.memory_space<vmem>>
    %dma_start3A_223 = tpu.memref_squeeze %dma_start3A_222 : memref<1x128xi32, #tpu.memory_space<vmem>> -> memref<128xi32, #tpu.memory_space<vmem>>
    %dma_start3A_224 = arith.constant 0 : i32
    %dma_start3A_225 = arith.constant 0 : i32
    %dma_start3A_226 = tpu.memref_slice %arg15[%dma_start3A_224, %dma_start3A_225] : memref<16384x128xf32, #tpu.memory_space<hbm>> -> memref<16384x128xf32, #tpu.memory_space<hbm>>
    tpu.enqueue_indirect_dma source(%dma_start3A_220 : memref<128x128xf32, #tpu.memory_space<vmem>>) target(%dma_start3A_226 : memref<16384x128xf32, #tpu.memory_space<hbm>>) offsets(%dma_start3A_223 : memref<128xi32, #tpu.memory_space<vmem>>) semaphore(%arg24 : memref<!tpu.dma_semaphore, #tpu.memory_space<semaphore_mem>>)
    %dma_start3A_227 = arith.constant 1 : i32
    %dma_start3A_228 = arith.constant 128 : i32
    %dma_start3A_229 = arith.constant 0 : i32
    %dma_start3A_230 = tpu.memref_slice %arg20[%dma_start3A_228, %dma_start3A_229] : memref<512x128xf32, #tpu.memory_space<vmem>> -> memref<128x128xf32, #tpu.memory_space<vmem>>
    %dma_start3A_231 = arith.constant 0 : i32
    %dma_start3A_232 = tpu.memref_slice %arg17[%dma_start3A_227, %dma_start3A_231] : memref<4x128xi32, #tpu.memory_space<vmem>> -> memref<1x128xi32, #tpu.memory_space<vmem>>
    %dma_start3A_233 = tpu.memref_squeeze %dma_start3A_232 : memref<1x128xi32, #tpu.memory_space<vmem>> -> memref<128xi32, #tpu.memory_space<vmem>>
    %dma_start3A_234 = arith.constant 0 : i32
    %dma_start3A_235 = arith.constant 0 : i32
    %dma_start3A_236 = tpu.memref_slice %arg15[%dma_start3A_234, %dma_start3A_235] : memref<16384x128xf32, #tpu.memory_space<hbm>> -> memref<16384x128xf32, #tpu.memory_space<hbm>>
    tpu.enqueue_indirect_dma source(%dma_start3A_230 : memref<128x128xf32, #tpu.memory_space<vmem>>) target(%dma_start3A_236 : memref<16384x128xf32, #tpu.memory_space<hbm>>) offsets(%dma_start3A_233 : memref<128xi32, #tpu.memory_space<vmem>>) semaphore(%arg24 : memref<!tpu.dma_semaphore, #tpu.memory_space<semaphore_mem>>)
    %dma_start3A_237 = arith.constant 2 : i32
    %dma_start3A_238 = arith.constant 256 : i32
    %dma_start3A_239 = arith.constant 0 : i32
    %dma_start3A_240 = tpu.memref_slice %arg20[%dma_start3A_238, %dma_start3A_239] : memref<512x128xf32, #tpu.memory_space<vmem>> -> memref<128x128xf32, #tpu.memory_space<vmem>>
    %dma_start3A_241 = arith.constant 0 : i32
    %dma_start3A_242 = tpu.memref_slice %arg17[%dma_start3A_237, %dma_start3A_241] : memref<4x128xi32, #tpu.memory_space<vmem>> -> memref<1x128xi32, #tpu.memory_space<vmem>>
    %dma_start3A_243 = tpu.memref_squeeze %dma_start3A_242 : memref<1x128xi32, #tpu.memory_space<vmem>> -> memref<128xi32, #tpu.memory_space<vmem>>
    %dma_start3A_244 = arith.constant 0 : i32
    %dma_start3A_245 = arith.constant 0 : i32
    %dma_start3A_246 = tpu.memref_slice %arg15[%dma_start3A_244, %dma_start3A_245] : memref<16384x128xf32, #tpu.memory_space<hbm>> -> memref<16384x128xf32, #tpu.memory_space<hbm>>
    tpu.enqueue_indirect_dma source(%dma_start3A_240 : memref<128x128xf32, #tpu.memory_space<vmem>>) target(%dma_start3A_246 : memref<16384x128xf32, #tpu.memory_space<hbm>>) offsets(%dma_start3A_243 : memref<128xi32, #tpu.memory_space<vmem>>) semaphore(%arg24 : memref<!tpu.dma_semaphore, #tpu.memory_space<semaphore_mem>>)
    %dma_start3A_247 = arith.constant 3 : i32
    %dma_start3A_248 = arith.constant 384 : i32
    %dma_start3A_249 = arith.constant 0 : i32
    %dma_start3A_250 = tpu.memref_slice %arg20[%dma_start3A_248, %dma_start3A_249] : memref<512x128xf32, #tpu.memory_space<vmem>> -> memref<128x128xf32, #tpu.memory_space<vmem>>
    %dma_start3A_251 = arith.constant 0 : i32
    %dma_start3A_252 = tpu.memref_slice %arg17[%dma_start3A_247, %dma_start3A_251] : memref<4x128xi32, #tpu.memory_space<vmem>> -> memref<1x128xi32, #tpu.memory_space<vmem>>
    %dma_start3A_253 = tpu.memref_squeeze %dma_start3A_252 : memref<1x128xi32, #tpu.memory_space<vmem>> -> memref<128xi32, #tpu.memory_space<vmem>>
    %dma_start3A_254 = arith.constant 0 : i32
    %dma_start3A_255 = arith.constant 0 : i32
    %dma_start3A_256 = tpu.memref_slice %arg15[%dma_start3A_254, %dma_start3A_255] : memref<16384x128xf32, #tpu.memory_space<hbm>> -> memref<16384x128xf32, #tpu.memory_space<hbm>>
    tpu.enqueue_indirect_dma source(%dma_start3A_250 : memref<128x128xf32, #tpu.memory_space<vmem>>) target(%dma_start3A_256 : memref<16384x128xf32, #tpu.memory_space<hbm>>) offsets(%dma_start3A_253 : memref<128xi32, #tpu.memory_space<vmem>>) semaphore(%arg24 : memref<!tpu.dma_semaphore, #tpu.memory_space<semaphore_mem>>)
    %dma_wait3A_257 = arith.constant 0 : i32
    %dma_wait3A_258 = arith.constant 0 : i32
    %dma_wait3A_259 = arith.constant 0 : i32
    %dma_wait3A_260 = tpu.memref_slice %arg20[%dma_wait3A_258, %dma_wait3A_259] : memref<512x128xf32, #tpu.memory_space<vmem>> -> memref<128x128xf32, #tpu.memory_space<vmem>>
    %dma_wait3A_261 = arith.constant 0 : i32
    %dma_wait3A_262 = tpu.memref_slice %arg17[%dma_wait3A_257, %dma_wait3A_261] : memref<4x128xi32, #tpu.memory_space<vmem>> -> memref<1x128xi32, #tpu.memory_space<vmem>>
    %dma_wait3A_263 = tpu.memref_squeeze %dma_wait3A_262 : memref<1x128xi32, #tpu.memory_space<vmem>> -> memref<128xi32, #tpu.memory_space<vmem>>
    %dma_wait3A_264 = arith.constant 0 : i32
    %dma_wait3A_265 = arith.constant 0 : i32
    %dma_wait3A_266 = tpu.memref_slice %arg15[%dma_wait3A_264, %dma_wait3A_265] : memref<16384x128xf32, #tpu.memory_space<hbm>> -> memref<16384x128xf32, #tpu.memory_space<hbm>>
    tpu.wait_indirect_dma semaphore(%arg24 : memref<!tpu.dma_semaphore, #tpu.memory_space<semaphore_mem>>) src(%dma_wait3A_260 : memref<128x128xf32, #tpu.memory_space<vmem>>) dst(%dma_wait3A_266 : memref<16384x128xf32, #tpu.memory_space<hbm>>)
    %dma_wait3A_267 = arith.constant 1 : i32
    %dma_wait3A_268 = arith.constant 128 : i32
    %dma_wait3A_269 = arith.constant 0 : i32
    %dma_wait3A_270 = tpu.memref_slice %arg20[%dma_wait3A_268, %dma_wait3A_269] : memref<512x128xf32, #tpu.memory_space<vmem>> -> memref<128x128xf32, #tpu.memory_space<vmem>>
    %dma_wait3A_271 = arith.constant 0 : i32
    %dma_wait3A_272 = tpu.memref_slice %arg17[%dma_wait3A_267, %dma_wait3A_271] : memref<4x128xi32, #tpu.memory_space<vmem>> -> memref<1x128xi32, #tpu.memory_space<vmem>>
    %dma_wait3A_273 = tpu.memref_squeeze %dma_wait3A_272 : memref<1x128xi32, #tpu.memory_space<vmem>> -> memref<128xi32, #tpu.memory_space<vmem>>
    %dma_wait3A_274 = arith.constant 0 : i32
    %dma_wait3A_275 = arith.constant 0 : i32
    %dma_wait3A_276 = tpu.memref_slice %arg15[%dma_wait3A_274, %dma_wait3A_275] : memref<16384x128xf32, #tpu.memory_space<hbm>> -> memref<16384x128xf32, #tpu.memory_space<hbm>>
    tpu.wait_indirect_dma semaphore(%arg24 : memref<!tpu.dma_semaphore, #tpu.memory_space<semaphore_mem>>) src(%dma_wait3A_270 : memref<128x128xf32, #tpu.memory_space<vmem>>) dst(%dma_wait3A_276 : memref<16384x128xf32, #tpu.memory_space<hbm>>)
    %dma_wait3A_277 = arith.constant 2 : i32
    %dma_wait3A_278 = arith.constant 256 : i32
    %dma_wait3A_279 = arith.constant 0 : i32
    %dma_wait3A_280 = tpu.memref_slice %arg20[%dma_wait3A_278, %dma_wait3A_279] : memref<512x128xf32, #tpu.memory_space<vmem>> -> memref<128x128xf32, #tpu.memory_space<vmem>>
    %dma_wait3A_281 = arith.constant 0 : i32
    %dma_wait3A_282 = tpu.memref_slice %arg17[%dma_wait3A_277, %dma_wait3A_281] : memref<4x128xi32, #tpu.memory_space<vmem>> -> memref<1x128xi32, #tpu.memory_space<vmem>>
    %dma_wait3A_283 = tpu.memref_squeeze %dma_wait3A_282 : memref<1x128xi32, #tpu.memory_space<vmem>> -> memref<128xi32, #tpu.memory_space<vmem>>
    %dma_wait3A_284 = arith.constant 0 : i32
    %dma_wait3A_285 = arith.constant 0 : i32
    %dma_wait3A_286 = tpu.memref_slice %arg15[%dma_wait3A_284, %dma_wait3A_285] : memref<16384x128xf32, #tpu.memory_space<hbm>> -> memref<16384x128xf32, #tpu.memory_space<hbm>>
    tpu.wait_indirect_dma semaphore(%arg24 : memref<!tpu.dma_semaphore, #tpu.memory_space<semaphore_mem>>) src(%dma_wait3A_280 : memref<128x128xf32, #tpu.memory_space<vmem>>) dst(%dma_wait3A_286 : memref<16384x128xf32, #tpu.memory_space<hbm>>)
    %dma_wait3A_287 = arith.constant 3 : i32
    %dma_wait3A_288 = arith.constant 384 : i32
    %dma_wait3A_289 = arith.constant 0 : i32
    %dma_wait3A_290 = tpu.memref_slice %arg20[%dma_wait3A_288, %dma_wait3A_289] : memref<512x128xf32, #tpu.memory_space<vmem>> -> memref<128x128xf32, #tpu.memory_space<vmem>>
    %dma_wait3A_291 = arith.constant 0 : i32
    %dma_wait3A_292 = tpu.memref_slice %arg17[%dma_wait3A_287, %dma_wait3A_291] : memref<4x128xi32, #tpu.memory_space<vmem>> -> memref<1x128xi32, #tpu.memory_space<vmem>>
    %dma_wait3A_293 = tpu.memref_squeeze %dma_wait3A_292 : memref<1x128xi32, #tpu.memory_space<vmem>> -> memref<128xi32, #tpu.memory_space<vmem>>
    %dma_wait3A_294 = arith.constant 0 : i32
    %dma_wait3A_295 = arith.constant 0 : i32
    %dma_wait3A_296 = tpu.memref_slice %arg15[%dma_wait3A_294, %dma_wait3A_295] : memref<16384x128xf32, #tpu.memory_space<hbm>> -> memref<16384x128xf32, #tpu.memory_space<hbm>>
    tpu.wait_indirect_dma semaphore(%arg24 : memref<!tpu.dma_semaphore, #tpu.memory_space<semaphore_mem>>) src(%dma_wait3A_290 : memref<128x128xf32, #tpu.memory_space<vmem>>) dst(%dma_wait3A_296 : memref<16384x128xf32, #tpu.memory_space<hbm>>)
    return
  }
}

module attributes {stable_mosaic.version = 14 : i64} {
  func.func @_mlp_body(%arg0: i32, %arg1: memref<2048x128xf32, #tpu.memory_space<vmem>>, %arg2: memref<2048x128xf32, #tpu.memory_space<vmem>>, %arg3: memref<32x32xf32, #tpu.memory_space<vmem>>, %arg4: memref<32x32xf32, #tpu.memory_space<vmem>>, %arg5: memref<1x32xf32, #tpu.memory_space<vmem>>, %arg6: memref<32x16xf32, #tpu.memory_space<vmem>>, %arg7: memref<1x16xf32, #tpu.memory_space<vmem>>, %arg8: memref<16x8xf32, #tpu.memory_space<vmem>>, %arg9: memref<1x8xf32, #tpu.memory_space<vmem>>, %arg10: memref<16x1xf32, #tpu.memory_space<vmem>>, %arg11: memref<8x1xf32, #tpu.memory_space<vmem>>, %arg12: memref<1x1xf32, #tpu.memory_space<vmem>>, %arg13: memref<2048x1xf32, #tpu.memory_space<vmem>>) attributes {dimension_semantics = [#tpu.dimension_semantics<arbitrary>], iteration_bounds = array<i64: 8>, scalar_prefetch = 0 : i64, scratch_operands = 0 : i64, tpu.core_type = #tpu.core_type<tc>, window_params = [{transform_indices = @transform_0, window_bounds = array<i64: 2048, 128>}, {transform_indices = @transform_1, window_bounds = array<i64: 2048, 128>}, {pipeline_mode = #tpu.pipeline_mode<synchronous>, transform_indices = @transform_2, window_bounds = array<i64: 32, 32>}, {pipeline_mode = #tpu.pipeline_mode<synchronous>, transform_indices = @transform_3, window_bounds = array<i64: 32, 32>}, {pipeline_mode = #tpu.pipeline_mode<synchronous>, transform_indices = @transform_4, window_bounds = array<i64: 1, 32>}, {pipeline_mode = #tpu.pipeline_mode<synchronous>, transform_indices = @transform_5, window_bounds = array<i64: 32, 16>}, {pipeline_mode = #tpu.pipeline_mode<synchronous>, transform_indices = @transform_6, window_bounds = array<i64: 1, 16>}, {pipeline_mode = #tpu.pipeline_mode<synchronous>, transform_indices = @transform_7, window_bounds = array<i64: 16, 8>}, {pipeline_mode = #tpu.pipeline_mode<synchronous>, transform_indices = @transform_8, window_bounds = array<i64: 1, 8>}, {pipeline_mode = #tpu.pipeline_mode<synchronous>, transform_indices = @transform_9, window_bounds = array<i64: 16, 1>}, {pipeline_mode = #tpu.pipeline_mode<synchronous>, transform_indices = @transform_10, window_bounds = array<i64: 8, 1>}, {pipeline_mode = #tpu.pipeline_mode<synchronous>, transform_indices = @transform_11, window_bounds = array<i64: 1, 1>}, {transform_indices = @transform_12, window_bounds = array<i64: 2048, 1>}]} {
    %get3A = arith.constant 0 : index
    %get3A_0 = arith.constant 0 : index
    %get3A_1 = vector.load %arg1[%get3A, %get3A_0] : memref<2048x128xf32, #tpu.memory_space<vmem>>, vector<2048x128xf32>
    %get3A_2 = arith.constant 0 : index
    %get3A_3 = arith.constant 0 : index
    %get3A_4 = vector.load %arg2[%get3A_2, %get3A_3] : memref<2048x128xf32, #tpu.memory_space<vmem>>, vector<2048x128xf32>
    %slice3A = vector.extract_strided_slice %get3A_1 {offsets = [0, 0], sizes = [2048, 32], strides = [1, 1]} : vector<2048x128xf32> to vector<2048x32xf32>
    %slice3A_5 = vector.extract_strided_slice %get3A_4 {offsets = [0, 0], sizes = [2048, 32], strides = [1, 1]} : vector<2048x128xf32> to vector<2048x32xf32>
    %slice3A_6 = vector.extract_strided_slice %get3A_1 {offsets = [0, 32], sizes = [2048, 16], strides = [1, 1]} : vector<2048x128xf32> to vector<2048x16xf32>
    %slice3A_7 = vector.extract_strided_slice %get3A_4 {offsets = [0, 32], sizes = [2048, 16], strides = [1, 1]} : vector<2048x128xf32> to vector<2048x16xf32>
    %mul3A = arith.mulf %slice3A_6, %slice3A_7 : vector<2048x16xf32>
    %get3A_8 = arith.constant 0 : index
    %get3A_9 = arith.constant 0 : index
    %get3A_10 = vector.load %arg3[%get3A_8, %get3A_9] : memref<32x32xf32, #tpu.memory_space<vmem>>, vector<32x32xf32>
    %dot_general3A = arith.constant dense<0.000000e+00> : vector<2048x32xf32>
    %dot_general3A_11 = tpu.matmul %slice3A, %get3A_10, %dot_general3A {dimension_numbers = #tpu.dot_dimension_numbers<[1], [0], [0], [1], [0, 0, 1, 1], [], []>, transpose_lhs_hint = false} : vector<2048x32xf32>, vector<32x32xf32>, vector<2048x32xf32> -> vector<2048x32xf32>
    %get3A_12 = arith.constant 0 : index
    %get3A_13 = arith.constant 0 : index
    %get3A_14 = vector.load %arg4[%get3A_12, %get3A_13] : memref<32x32xf32, #tpu.memory_space<vmem>>, vector<32x32xf32>
    %dot_general3A_15 = arith.constant dense<0.000000e+00> : vector<2048x32xf32>
    %dot_general3A_16 = tpu.matmul %slice3A_5, %get3A_14, %dot_general3A_15 {dimension_numbers = #tpu.dot_dimension_numbers<[1], [0], [0], [1], [0, 0, 1, 1], [], []>, transpose_lhs_hint = false} : vector<2048x32xf32>, vector<32x32xf32>, vector<2048x32xf32> -> vector<2048x32xf32>
    %add3A = arith.addf %dot_general3A_11, %dot_general3A_16 : vector<2048x32xf32>
    %get3A_17 = arith.constant 0 : index
    %get3A_18 = arith.constant 0 : index
    %get3A_19 = vector.load %arg5[%get3A_17, %get3A_18] : memref<1x32xf32, #tpu.memory_space<vmem>>, vector<1x32xf32>
    %add3A_20 = vector.broadcast %get3A_19 : vector<1x32xf32> to vector<2048x32xf32>
    %add3A_21 = arith.addf %add3A, %add3A_20 : vector<2048x32xf32>
    %max3A = arith.constant 0.000000e+00 : f32
    %max3A_22 = vector.broadcast %max3A : f32 to vector<2048x32xf32>
    %max3A_23 = arith.maximumf %add3A_21, %max3A_22 : vector<2048x32xf32>
    %get3A_24 = arith.constant 0 : index
    %get3A_25 = arith.constant 0 : index
    %get3A_26 = vector.load %arg6[%get3A_24, %get3A_25] : memref<32x16xf32, #tpu.memory_space<vmem>>, vector<32x16xf32>
    %dot_general3A_27 = arith.constant dense<0.000000e+00> : vector<2048x16xf32>
    %dot_general3A_28 = tpu.matmul %max3A_23, %get3A_26, %dot_general3A_27 {dimension_numbers = #tpu.dot_dimension_numbers<[1], [0], [0], [1], [0, 0, 1, 1], [], []>, transpose_lhs_hint = false} : vector<2048x32xf32>, vector<32x16xf32>, vector<2048x16xf32> -> vector<2048x16xf32>
    %get3A_29 = arith.constant 0 : index
    %get3A_30 = arith.constant 0 : index
    %get3A_31 = vector.load %arg7[%get3A_29, %get3A_30] : memref<1x16xf32, #tpu.memory_space<vmem>>, vector<1x16xf32>
    %add3A_32 = vector.broadcast %get3A_31 : vector<1x16xf32> to vector<2048x16xf32>
    %add3A_33 = arith.addf %dot_general3A_28, %add3A_32 : vector<2048x16xf32>
    %max3A_34 = arith.constant 0.000000e+00 : f32
    %max3A_35 = vector.broadcast %max3A_34 : f32 to vector<2048x16xf32>
    %max3A_36 = arith.maximumf %add3A_33, %max3A_35 : vector<2048x16xf32>
    %get3A_37 = arith.constant 0 : index
    %get3A_38 = arith.constant 0 : index
    %get3A_39 = vector.load %arg8[%get3A_37, %get3A_38] : memref<16x8xf32, #tpu.memory_space<vmem>>, vector<16x8xf32>
    %dot_general3A_40 = arith.constant dense<0.000000e+00> : vector<2048x8xf32>
    %dot_general3A_41 = tpu.matmul %max3A_36, %get3A_39, %dot_general3A_40 {dimension_numbers = #tpu.dot_dimension_numbers<[1], [0], [0], [1], [0, 0, 1, 1], [], []>, transpose_lhs_hint = false} : vector<2048x16xf32>, vector<16x8xf32>, vector<2048x8xf32> -> vector<2048x8xf32>
    %get3A_42 = arith.constant 0 : index
    %get3A_43 = arith.constant 0 : index
    %get3A_44 = vector.load %arg9[%get3A_42, %get3A_43] : memref<1x8xf32, #tpu.memory_space<vmem>>, vector<1x8xf32>
    %add3A_45 = vector.broadcast %get3A_44 : vector<1x8xf32> to vector<2048x8xf32>
    %add3A_46 = arith.addf %dot_general3A_41, %add3A_45 : vector<2048x8xf32>
    %max3A_47 = arith.constant 0.000000e+00 : f32
    %max3A_48 = vector.broadcast %max3A_47 : f32 to vector<2048x8xf32>
    %max3A_49 = arith.maximumf %add3A_46, %max3A_48 : vector<2048x8xf32>
    %get3A_50 = arith.constant 0 : index
    %get3A_51 = arith.constant 0 : index
    %get3A_52 = vector.load %arg10[%get3A_50, %get3A_51] : memref<16x1xf32, #tpu.memory_space<vmem>>, vector<16x1xf32>
    %dot_general3A_53 = arith.constant dense<0.000000e+00> : vector<2048x1xf32>
    %dot_general3A_54 = tpu.matmul %mul3A, %get3A_52, %dot_general3A_53 {dimension_numbers = #tpu.dot_dimension_numbers<[1], [0], [0], [1], [0, 0, 1, 1], [], []>, transpose_lhs_hint = false} : vector<2048x16xf32>, vector<16x1xf32>, vector<2048x1xf32> -> vector<2048x1xf32>
    %get3A_55 = arith.constant 0 : index
    %get3A_56 = arith.constant 0 : index
    %get3A_57 = vector.load %arg11[%get3A_55, %get3A_56] : memref<8x1xf32, #tpu.memory_space<vmem>>, vector<8x1xf32>
    %dot_general3A_58 = arith.constant dense<0.000000e+00> : vector<2048x1xf32>
    %dot_general3A_59 = tpu.matmul %max3A_49, %get3A_57, %dot_general3A_58 {dimension_numbers = #tpu.dot_dimension_numbers<[1], [0], [0], [1], [0, 0, 1, 1], [], []>, transpose_lhs_hint = false} : vector<2048x8xf32>, vector<8x1xf32>, vector<2048x1xf32> -> vector<2048x1xf32>
    %add3A_60 = arith.addf %dot_general3A_54, %dot_general3A_59 : vector<2048x1xf32>
    %get3A_61 = arith.constant 0 : index
    %get3A_62 = arith.constant 0 : index
    %get3A_63 = vector.load %arg12[%get3A_61, %get3A_62] : memref<1x1xf32, #tpu.memory_space<vmem>>, vector<1x1xf32>
    %add3A_64 = vector.broadcast %get3A_63 : vector<1x1xf32> to vector<2048x1xf32>
    %add3A_65 = arith.addf %add3A_60, %add3A_64 : vector<2048x1xf32>
    %neg3A = arith.constant 0.000000e+00 : f32
    %neg3A_66 = vector.broadcast %neg3A : f32 to vector<2048x1xf32>
    %neg3A_67 = arith.subf %neg3A_66, %add3A_65 : vector<2048x1xf32>
    %exp3A = math.exp %neg3A_67 : vector<2048x1xf32>
    %add3A_68 = arith.constant 1.000000e+00 : f32
    %add3A_69 = vector.broadcast %add3A_68 : f32 to vector<2048x1xf32>
    %add3A_70 = arith.addf %add3A_69, %exp3A : vector<2048x1xf32>
    %div3A = arith.constant 1.000000e+00 : f32
    %div3A_71 = vector.broadcast %div3A : f32 to vector<2048x1xf32>
    %div3A_72 = arith.divf %div3A_71, %add3A_70 : vector<2048x1xf32>
    %swap3A = arith.constant 0 : index
    %swap3A_73 = arith.constant 0 : index
    %swap3A_74 = vector.load %arg13[%swap3A, %swap3A_73] : memref<2048x1xf32, #tpu.memory_space<vmem>>, vector<2048x1xf32>
    tpu.vector_store %arg13[%swap3A, %swap3A_73], %div3A_72 {strides = array<i32>} : memref<2048x1xf32, #tpu.memory_space<vmem>>, vector<2048x1xf32>,
    return
  }
  func.func @transform_0(%arg0: i32) -> (i32, i32) {
    %c0_i32 = arith.constant 0 : i32
    %c0_i32_0 = arith.constant 0 : i32
    return %arg0, %c0_i32 : i32, i32
  }
  func.func @transform_1(%arg0: i32) -> (i32, i32) {
    %c0_i32 = arith.constant 0 : i32
    %c0_i32_0 = arith.constant 0 : i32
    return %arg0, %c0_i32 : i32, i32
  }
  func.func @transform_2(%arg0: i32) -> (i32, i32) {
    %c0_i32 = arith.constant 0 : i32
    %c0_i32_0 = arith.constant 0 : i32
    %c0_i32_1 = arith.constant 0 : i32
    return %c0_i32, %c0_i32_0 : i32, i32
  }
  func.func @transform_3(%arg0: i32) -> (i32, i32) {
    %c0_i32 = arith.constant 0 : i32
    %c0_i32_0 = arith.constant 0 : i32
    %c0_i32_1 = arith.constant 0 : i32
    return %c0_i32, %c0_i32_0 : i32, i32
  }
  func.func @transform_4(%arg0: i32) -> (i32, i32) {
    %c0_i32 = arith.constant 0 : i32
    %c0_i32_0 = arith.constant 0 : i32
    %c0_i32_1 = arith.constant 0 : i32
    return %c0_i32, %c0_i32_0 : i32, i32
  }
  func.func @transform_5(%arg0: i32) -> (i32, i32) {
    %c0_i32 = arith.constant 0 : i32
    %c0_i32_0 = arith.constant 0 : i32
    %c0_i32_1 = arith.constant 0 : i32
    return %c0_i32, %c0_i32_0 : i32, i32
  }
  func.func @transform_6(%arg0: i32) -> (i32, i32) {
    %c0_i32 = arith.constant 0 : i32
    %c0_i32_0 = arith.constant 0 : i32
    %c0_i32_1 = arith.constant 0 : i32
    return %c0_i32, %c0_i32_0 : i32, i32
  }
  func.func @transform_7(%arg0: i32) -> (i32, i32) {
    %c0_i32 = arith.constant 0 : i32
    %c0_i32_0 = arith.constant 0 : i32
    %c0_i32_1 = arith.constant 0 : i32
    return %c0_i32, %c0_i32_0 : i32, i32
  }
  func.func @transform_8(%arg0: i32) -> (i32, i32) {
    %c0_i32 = arith.constant 0 : i32
    %c0_i32_0 = arith.constant 0 : i32
    %c0_i32_1 = arith.constant 0 : i32
    return %c0_i32, %c0_i32_0 : i32, i32
  }
  func.func @transform_9(%arg0: i32) -> (i32, i32) {
    %c0_i32 = arith.constant 0 : i32
    %c0_i32_0 = arith.constant 0 : i32
    %c0_i32_1 = arith.constant 0 : i32
    return %c0_i32, %c0_i32_0 : i32, i32
  }
  func.func @transform_10(%arg0: i32) -> (i32, i32) {
    %c0_i32 = arith.constant 0 : i32
    %c0_i32_0 = arith.constant 0 : i32
    %c0_i32_1 = arith.constant 0 : i32
    return %c0_i32, %c0_i32_0 : i32, i32
  }
  func.func @transform_11(%arg0: i32) -> (i32, i32) {
    %c0_i32 = arith.constant 0 : i32
    %c0_i32_0 = arith.constant 0 : i32
    %c0_i32_1 = arith.constant 0 : i32
    return %c0_i32, %c0_i32_0 : i32, i32
  }
  func.func @transform_12(%arg0: i32) -> (i32, i32) {
    %c0_i32 = arith.constant 0 : i32
    %c0_i32_0 = arith.constant 0 : i32
    return %arg0, %c0_i32 : i32, i32
  }
}

</mosaic_0001>

<sc_bundles>
// kernel: kernel.4.cloned.1.call-start
scs
__scs_entry_jumppad:
0x0: {  	(pc) =	sbr.rel $0x88, $3  }
0x1: {  	(tag) =	ssettag $0x0;
	lr =	simm.s32 $0x1  }
0x2: {  	[smem:$0x3F93] =	sst lr;
	_ =	strace $0xD0000000  }
0x3: {  	_ = 	snop  }
0x4: {  	_ = 	snop  }
0x5: {  	_ = 	snop  }
0x6: {  	_ = 	snop  }
0x7: {  	_ = 	snop  }
__scs_overlays_trampoline_lowered:
0x8: {  	[smem:$0x3FA2] =	sst s0  }
0x9: {  	[smem:$0x3FA3] =	sst s1  }
0xa: {  	[smem:$0x3FA4] =	sst s2  }
0xb: {  	[smem:$0x3FA5] =	sst s3  }
0xc: {  	[smem:$0x3FA6] =	sst s4  }
0xd: {  	[smem:$0x3FA7] =	sst s5  }
0xe: {  	[smem:$0x3FA8] =	sst s6  }
0xf: {  	[smem:$0x3FA9] =	sst s7  }
0x10: {  	[smem:$0x3FAA] =	sst s8  }
0x11: {  	[smem:$0x3FAB] =	sst s9;
	s0 =	simm.s32 @!p0 $0x0  }
0x12: {  	s1 =	sld [smem:$0x3F91];
	s0 =	simm.s32 @p0 $0x1  }
0x13: {  	[smem:$0x3FAC] =	sst s0;
	s0 =	simm.s32 @!p1 $0x0  }
0x14: {  	s2 =	sld [smem:$0x3F90];
	s0 =	simm.s32 @p1 $0x1  }
0x15: {  	[smem:$0x3FAD] =	sst s0;
	s0 =	simm.s32 @!p2 $0x0  }
0x16: {  	s3 =	sld [smem:$0x3FDB];
	s0 =	simm.s32 @p2 $0x1  }
0x17: {  	s4 =	simm.s32 $0x1BF5;
	[smem:$0x3FAF] =	sst s0  }
0x18: {  	s0 =	sld [smem:$0x3F92];
	_ =	swait.ge [sflag:s4], $0x0  }
0x19: {  	s7 =	sld [smem:$0x3F93]  }
0x1a: {  	s8 =	sadd.s32 $0xFFFFE003, lr  }
0x1b: {  	s9 =	sadd.s32 $0xFFFFFEF7, lr;
	s5 =	simm.s32 $0xFFFFFFFF;
	p2 =	slt.u32 s8, $0xFFFFF086  }
0x1c: {  	p1 =	slt.u32 s9, $0xF7A;
	s5 =	simm.s32 @!p2 $0x0  }
0x1d: {  	s5 =	simm.s32 @p1 $0x1;
	p0 =	seq.s32 s7, s2  }
0x1e: {  	s7 =	smul.u32 @!p0 $0xF7A, s2;
	p2 =	seq.s32 @!p0 s5, $0x0  }
0x1f: {  	s9 =	smul.u32 $0xF7A, s1;
	s8 =	simm.s32 @!p0 $0x1BF5;
	p2 =	por !p2, p0  }
0x20: {  	[sflag:s8] =	ssyncset.s32 @!p0 $0xFFFFF086;
	s6 =	sadd.s32 @!p0 s3, s7;
	s7 =	simm.s32 @!p0 $0x108  }
0x21: {  	s3 =	sadd.s32 s3, s9;
	s6 =	sadd.s32 @!p0 $0x88, s6;
	s7 =	simm.s32 @p2 $0x1082  }
0x22: {  	[simem:s7], [sflag:s8] =	dma.local @!p0 [hbm:s6], $0xF7A  }
0x23: {  	s9 =	sor.u32 $0xD0000000, s2;
	s6 =	simm.s32 $0x108;
	_ =	swait.ge @!p0 [sflag:s8], $0x0  }
0x24: {  	s3 =	sadd.s32 $0x88, s3;
	s6 =	simm.s32 @!p1 $0x1082;
	[sflag:s4] =	ssyncset.s32 $0xFFFFF086  }
0x25: {  	[simem:s6], [sflag:s4] =	dma.local [hbm:s3], $0xF7A  }
0x26: {  	[smem:$0x3F93] =	sst s1;
	(tag) =	ssettag s2;
	_ =	strace s9  }
0x27: {  	s1 =	sld [smem:$0x3FA3]  }
0x28: {  	s2 =	sld [smem:$0x3FA4]  }
0x29: {  	s4 =	sld [smem:$0x3FA6]  }
0x2a: {  	p0 =	seq.s32 s5, $0x0;
	s5 =	sld [smem:$0x3FA7]  }
0x2b: {  	s6 =	sld [smem:$0x3FA8]  }
0x2c: {  	s7 =	sld [smem:$0x3FA9]  }
0x2d: {  	s3 =	simm.s32 $0x108;
	s8 =	sld [smem:$0x3FAA]  }
0x2e: {  	s3 =	simm.s32 @!p0 $0x1082;
	s9 =	sld [smem:$0x3FAB]  }
0x2f: {  	lr =	sadd.s32 s0, s3;
	s0 =	sld [smem:$0x3FA2]  }
0x30: {  	s3 =	sld [smem:$0x3FA5]  }
0x31: {  	[smem:$0x3FAE] =	sst s10  }
0x32: {  	s10 =	sld [smem:$0x3FAC];
	_ =	sdelay $0x3  }
0x33: {  	p0 =	seq.s32 s10, $0x1;
	s10 =	sld [smem:$0x3FAE];
	_ =	sdelay $0x3  }
0x34: {  	[smem:$0x3FAE] =	sst s10  }
0x35: {  	s10 =	sld [smem:$0x3FAD];
	_ =	sdelay $0x3  }
0x36: {  	p1 =	seq.s32 s10, $0x1;
	s10 =	sld [smem:$0x3FAE];
	_ =	sdelay $0x3  }
0x37: {  	[smem:$0x3FAE] =	sst s10  }
0x38: {  	s10 =	sld [smem:$0x3FAF]  }
0x39: {  	_ = 	snop;
	(pc) =	sbr.ind lr, $3  }
0x3a: {  	_ = 	snop  }
0x3b: {  	_ = 	snop  }
0x3c: {  	p2 =	seq.s32 s10, $0x1;
	s10 =	sld [smem:$0x3FAE]  }
0x3d: {  	_ =	shalt  }
0x3e: {  	_ =	shalt  }
0x3f: {  	_ =	shalt  }
0x40: {  	_ =	shalt  }
0x41: {  	_ =	shalt  }
0x42: {  	_ =	shalt  }
0x43: {  	_ =	shalt  }
0x44: {  	_ =	shalt  }
0x45: {  	_ =	shalt  }
0x46: {  	_ =	shalt  }
0x47: {  	_ =	shalt  }
0x48: {  	_ =	shalt  }
0x49: {  	_ =	shalt  }
0x4a: {  	_ =	shalt  }
0x4b: {  	_ =	shalt  }
0x4c: {  	_ =	shalt  }
0x4d: {  	_ =	shalt  }
0x4e: {  	_ =	shalt  }
0x4f: {  	_ =	shalt  }
0x50: {  	_ =	shalt  }
0x51: {  	_ =	shalt  }
0x52: {  	_ =	shalt  }
0x53: {  	_ =	shalt  }
0x54: {  	_ =	shalt  }
0x55: {  	_ =	shalt  }
0x56: {  	_ =	shalt  }
0x57: {  	_ =	shalt  }
0x58: {  	_ =	shalt  }
0x59: {  	_ =	shalt  }
0x5a: {  	_ =	shalt  }
0x5b: {  	_ =	shalt  }
0x5c: {  	_ =	shalt  }
0x5d: {  	_ =	shalt  }
0x5e: {  	_ =	shalt  }
0x5f: {  	_ =	shalt  }
0x60: {  	_ =	shalt  }
0x61: {  	_ =	shalt  }
0x62: {  	_ =	shalt  }
0x63: {  	_ =	shalt  }
0x64: {  	_ =	shalt  }
0x65: {  	_ =	shalt  }
0x66: {  	_ =	shalt  }
0x67: {  	_ =	shalt  }
0x68: {  	_ =	shalt  }
0x69: {  	_ =	shalt  }
0x6a: {  	_ =	shalt  }
0x6b: {  	_ =	shalt  }
0x6c: {  	_ =	shalt  }
0x6d: {  	_ =	shalt  }
0x6e: {  	_ =	shalt  }
0x6f: {  	_ =	shalt  }
0x70: {  	_ =	shalt  }
0x71: {  	_ =	shalt  }
0x72: {  	_ =	shalt  }
0x73: {  	_ =	shalt  }
0x74: {  	_ =	shalt  }
0x75: {  	_ =	shalt  }
0x76: {  	_ =	shalt  }
0x77: {  	_ =	shalt  }
0x78: {  	_ =	shalt  }
0x79: {  	_ =	shalt  }
0x7a: {  	_ =	shalt  }
0x7b: {  	_ =	shalt  }
0x7c: {  	_ =	shalt  }
0x7d: {  	_ =	shalt  }
0x7e: {  	_ =	shalt  }
0x7f: {  	_ =	shalt  }
0x80: {  	_ =	shalt  }
0x81: {  	_ =	shalt  }
0x82: {  	_ =	shalt  }
0x83: {  	_ =	shalt  }
0x84: {  	_ =	shalt  }
0x85: {  	_ =	shalt  }
0x86: {  	_ =	shalt  }
0x87: {  	_ =	shalt  }
.Lfunc_end0:
.L_simem_size_0:
called_computation_lowered:
.L_overlay_start_0:
0x88: {  	s2 =	sld [smem:$0x3FD9]  }
0x89: {  	s3 =	sld [smem:$0x3FFE];
	_ =	sdelay $0x1  }
0x8a: {  	s1 =	srdreg.scid  }
0x8b: {  	s0 =	sand.u32 $0x1, s1  }
0x8c: {  	s17 =	sshll.u32 s0, $0xA;
	s2 =	sadd.s32 s3, s2  }
0x8d: {  	s2 =	sadd.s32 s2, s17  }
0x8e: {  	[smem:$0x3FBA] =	sst s2  }
0x8f: {  	_ = 	snop  }
0x90: {  	s2 =	sld [smem:$0x3FC7]  }
0x91: {  	s18 =	sld [smem:$0x3FC6]  }
0x92: {  	s4 =	sld [smem:$0x3FC5]  }
0x93: {  	s5 =	sld [smem:$0x3FC4]  }
0x94: {  	s6 =	sld [smem:$0x3FD0];
	(tm) =	ssettm $0x1  }
0x95: {  	s7 =	sld [smem:$0x3FFB];
	_ =	sdelay $0x3  }
0x96: {  	_ =	strace s7  }
0x97: {  	s7 =	sld [smem:$0x3FFC];
	_ =	sdelay $0x3  }
0x98: {  	_ =	strace s7  }
0x99: {  	s7 =	sld [smem:$0x3FFD];
	_ =	sdelay $0x3  }
0x9a: {  	_ =	strace s7  }
0x9b: {  	_ =	strace $0x8FFFFFFF  }
0x9c: {  	s19 =	sld [smem:$0x3FDB];
	_ =	sdelay $0x1  }
0x9d: {  	s8 =	simm.s32 $_scs_section_size  }
0x9e: {  	s9 =	simm.s32 $_size__tile_overlayer_lowered;
	s10 =	simm.s32 $_tile_overlayer_lowered  }
0x9f: {  	s22 =	simm.s32 $0x1BFF;
	s21 =	sshll.u32 s10, $0x1;
	s7 =	sadd.s32 s8, s19  }
0xa0: {  	s11 =	simm.s32 $0x0;
	s20 =	sshll.u32 s9, $0x1;
	s9 =	sadd.s32 s21, s7  }
0xa1: {  	[timem:s11], [sflag:s22] =	dma.local [hbm:s9], s20  }
0xa2: {  	_ =	swait.ge [sflag:s22], s20  }
0xa3: {  	s8 =	ssub.s32 $0x0, s20;
	[sflag:s22] =	ssyncset.done $0x0  }
0xa4: {  	[sflag:s22] =	ssyncadd.s32 s8;
	_ =	sdelay $0x1  }
0xa5: {  	s23 =	simm.s32 $0x1B8B  }
0xa6: {  	_ =	swait.ge [sflag:s23], $0x1  }
0xa7: {  	[sflag:s23] =	ssyncset.done $0x0  }
0xa8: {  	s25 =	simm.s32 $0x1B8E;
	s24 =	sld [smem:$0x3FFE];
	[sflag:s23] =	ssyncadd.s32 $0xFFFFFFFF  }
0xa9: {  	s26 =	simm.s32 $execute0_lowered;
	[smem:$0x3FD2] =	sst s25  }
0xaa: {  	s9 =	sshll.u32 s26, $0x1;
	_ =	strace $0x80000046;
	[dreg:$0x1] =	wrdreg $0xFFFFFFFF  }
0xab: {  	s28 =	simm.s32 $_size_execute0_lowered;
	s7 =	sadd.s32 s7, s9;
	[dreg:$0x0] =	wrdreg $0x0  }
0xac: {  	s9 =	sshll.u32 s28, $0x1;
	[dreg:$0x2] =	wrdreg s7  }
0xad: {  	[dreg:$0x3] =	wrdreg s9  }
0xae: {  	[dreg:$0x4] =	wrdreg $0xC0  }
0xaf: {  	_ =	task [dreg:s11], $0x5FFFF  }
0xb0: {  	[dreg:$0x1] =	wrdreg $0xFFFFFFFF  }
0xb1: {  	[dreg:$0x0] =	wrdreg $0x60  }
0xb2: {  	[dreg:$0x2] =	wrdreg s24  }
0xb3: {  	[dreg:$0x3] =	wrdreg s6  }
0xb4: {  	[dreg:$0x4] =	wrdreg s2  }
0xb5: {  	[dreg:$0x5] =	wrdreg s18  }
0xb6: {  	[dreg:$0x6] =	wrdreg s4  }
0xb7: {  	[dreg:$0x7] =	wrdreg s5  }
0xb8: {  	[dreg:$0x8] =	wrdreg $0x9  }
0xb9: {  	_ =	task.clear_ibuf [dreg:s11], $0x9FFFF;
	_ =	strace $0x90000046  }
0xba: {  	s29 =	simm.s32 $0x9;
	_ =	strace $0x80000048  }
0xbb: {  	_ =	swait.ge [sflag:s29], $0x1  }
0xbc: {  	[sflag:s29] =	ssyncadd.s32 $0xFFFFFFFF  }
0xbd: {  	_ =	strace $0x90000048  }
0xbe: {  	_ =	sfence  }
0xbf: {  	s30 =	sld [smem:$0x0];
	_ =	sdelay $0x2  }
0xc0: {  	s31 =	sshll.u32 s1, $0xD;
	s1 =	sshrl.u32 s1, $0x2  }
0xc1: {  	s3 =	sand.u32 $0x4000, s31;
	s1 =	sadd.s32 s1, s30  }
0xc2: {  	s0 =	sor.u32 s3, s0;
	s1 =	sshll.u32 s1, $0x11  }
0xc3: {  	s0 =	sor.u32 s1, s0  }
0xc4: {  	s0 =	sadd.s32 $0x8F2B, s0  }
0xc5: {  	[sflag:s0] =	ssyncadd.remote.s32 $0x1  }
0xc6: {  	_ =	sfence.sel $0xFFFF  }
0xc7: {  	[dreg:$0x0] =	wrdreg $0xFFFFFFFF;
	(pc) =	sbr.abs _section_cstart, $3  }
0xc8: {  	[dreg:$0x1] =	wrdreg $0xFFFFFFFF  }
0xc9: {  	_ =	task.clear_ibuf [dreg:s11], $0x2FFFF;
	_ =	strace $0x9FFFFFFF  }
0xca: {  	(tm) =	ssettm $0x7FFFFFFF  }
0xcb: {  	_ =	shalt  }
tec
execute0_lowered:
.L_overlay_start_1:
0x0: {  	(tag) =	ssettag $0x1  }
0x1: {  	s0 =	rddreg [dreg:$0x0]  }
0x2: {  	s4 =	rddreg [dreg:$0x1];
	s2 =	srdreg.scid  }
0x3: {  	s3 =	stileid.u32;
	s1 =	rddreg [dreg:$0x2]  }
0x4: {  	s18 =	simm.s32 $0x80;
	s19 =	simm.s32 $0x400;
	s20 =	simm.s32 $0x280  }
0x5: {  	s28 =	simm.s32 $0x8480;
	s7 =	sand.u32 $0x1, s2;
	s3 =	sshll.u32 s3, $0x1  }
0x6: {  	v0 =	vimm.s32 $0xB80;
	vm0 =	vcmask $0x300;
	v1 =	vimm.s32 $0x1B80;
	s2 =	rddreg [dreg:$0x3];
	s21 =	sadd.s32 $0x1A00, s0;
	s22 =	sadd.s32 $0x1800, s0  }
0x7: {  	vm1 =	vcmask $0x704;
	v0 =	vsel vm0, $0x0, v0;
	v1 =	vsel vm0, $0x1000, v1;
	s23 =	sadd.s32 $0x1E00, s0;
	s24 =	sadd.s32 $0x1C00, s0;
	s11 =	sadd.s32 $0x2000, s0  }
0x8: {  	vm15 =	vcmask $0xB08;
	s12 =	sadd.s32 $0x42000, s0;
	s5 =	sor.u32 s7, s3;
	s3 =	rddreg [dreg:$0x4];
	v0 =	vsel vm1, $0x80, v0;
	v1 =	vsel vm1, $0x1080, v1  }
0x9: {  	vm4 =	vcmask $0xF0C;
	s25 =	sshll.u32 s7, $0x9;
	s7 =	ssub.s32 $0x2, s7;
	s8 =	sshll.u32 s5, $0x9;
	v0 =	vsel vm15, $0x100, v0;
	v1 =	vsel vm15, $0x1100, v1  }
0xa: {  	vm5 =	vcmask $0x1310;
	s6 =	sshll.u32 s5, $0x7;
	s5 =	rddreg [dreg:$0x5];
	s26 =	sshrl.u32 s7, $0x1;
	v0 =	vsel vm4, $0x180, v0;
	v1 =	vsel vm4, $0x1180, v1  }
0xb: {  	vm6 =	vcmask $0x1714;
	s9 =	sand.u32 $0x3000, s8;
	s10 =	sand.u32 $0x380, s6;
	s6 =	simm.s32 $0x0;
	v0 =	vsel vm5, $0x200, v0;
	v1 =	vsel vm5, $0x1200, v1  }
0xc: {  	vm7 =	vcmask $0x1B18;
	s8 =	sand.u32 $0x3C00, s8;
	s7 =	ssub.s32 s7, s26;
	[smem:$0x7FF] =	sst s6;
	v0 =	vsel vm6, $0x280, v0;
	v1 =	vsel vm6, $0x1280, v1  }
0xd: {  	vm8 =	vcmask $0x1F1C;
	s26 =	simm.s32 $0x480;
	_ =	strace $0x80000047;
	[dreg:$0x7] =	wrdreg s21;
	v0 =	vsel vm7, $0x300, v0;
	v1 =	vsel vm7, $0x1300, v1  }
0xe: {  	vm9 =	vcmask $0x2320;
	s9 =	sor.u32 s10, s9;
	s8 =	sor.u32 s25, s8;
	[dreg:$0x8] =	wrdreg s22;
	v0 =	vsel vm8, $0x380, v0;
	v1 =	vsel vm8, $0x1380, v1  }
0xf: {  	vm10 =	vcmask $0x2724;
	s31 =	smax.u32 s7, $0x1;
	s25 =	simm.s32 $0x7A1400;
	[dreg:$0x9] =	wrdreg s23;
	v0 =	vsel vm9, $0x800, v0;
	v1 =	vsel vm9, $0x1800, v1  }
0x10: {  	vm11 =	vcmask $0x2B28;
	s9 =	sshrl.u32 s9, $0x3;
	[dreg:$0xa] =	wrdreg s24;
	s8 =	sshrl.u32 s8, $0x3;
	v0 =	vsel vm10, $0x880, v0;
	v1 =	vsel vm10, $0x1880, v1  }
.Ltmp0:
0x11: {  	vm12 =	vcmask $0x2F2C;
	[dreg:$0xf] =	wrdreg s31;
	s4 =	sadd.s32 s4, s8;
	v0 =	vsel vm11, $0x900, v0;
	v1 =	vsel vm11, $0x1900, v1;
	(pc) =	sbr.rel .LBB2_1-.Ltmp0, $4  }
0x12: {  	vm13 =	vcmask $0x3330;
	s9 =	sadd.s32 s9, s0;
	s0 =	sadd.s32 s0, s8;
	[dreg:$0xc] =	wrdreg s4;
	v0 =	vsel vm12, $0x980, v0;
	v1 =	vsel vm12, $0x1980, v1  }
0x13: {  	vm14 =	vcmask $0x3734;
	s23 =	simm.s32 $0x800;
	s29 =	sadd.s32 $0x1000, s9;
	[dreg:$0xe] =	wrdreg s0;
	v0 =	vsel vm13, $0xA00, v0;
	v1 =	vsel vm13, $0x1A00, v1  }
0x14: {  	vm15 =	vcmask $0x3B38;
	s24 =	simm.s32 $0x6;
	s30 =	sadd.s32 $0x800, s9;
	[dreg:$0xb] =	wrdreg s29;
	v0 =	vsel vm14, $0xA80, v0;
	v1 =	vsel vm14, $0x1A80, v1  }
0x15: {  	s8 =	simm.s32 $0x5;
	s9 =	simm.s32 $0x0;
	[dreg:$0xd] =	wrdreg s30;
	v0 =	vsel vm15, $0xB00, v0;
	v1 =	vsel vm15, $0x1B00, v1  }
.LBB2_17:
0x16: {  	s0 =	simm.s32 $0xC480  }
0x17: {  	[hbm4b:s12+s18] =	stream.indirect.scatter [tilespmem:s0], [sflag:$0x5], $0x80, s20, s18, $0xb8;
	[tilespmem:$0x1DC80] =	vst v63  }
0x18: {  	s21 =	simm.s32 $0x300;
	s4 =	simm.s32 $0x10480  }
0x19: {  	[hbm4b:s12+s18] =	stream.indirect.scatter [tilespmem:s4], [sflag:$0x5], $0x80, s21, s18, $0xb8;
	[tilespmem:$0x1DC80] =	vst v63  }
0x1a: {  	s22 =	simm.s32 $0x380;
	s29 =	simm.s32 $0x14480  }
0x1b: {  	[hbm4b:s12+s18] =	stream.indirect.scatter [tilespmem:s29], [sflag:$0x5], $0x80, s22, s18, $0xb8;
	[tilespmem:$0x1DC80] =	vst v63  }
0x1c: {  	s30 =	simm.s32 $0x18480  }
0x1d: {  	[hbm4b:s12+s18] =	stream.indirect.scatter [tilespmem:s30], [sflag:$0x5], $0x80, s19, s18, $0xb8;
	[tilespmem:$0x1DC80] =	vst v63  }
0x1e: {  	_ =	swait.ge [sflag:s8], $0x4000  }
0x1f: {  	[sflag:s8] =	ssyncset.done $0x0  }
0x20: {  	[sflag:s8] =	ssyncadd.s32 $0xFFFFC000  }
0x21: {  	_ =	swait.ge [sflag:s8], $0x4000  }
0x22: {  	[sflag:s8] =	ssyncset.done $0x0  }
0x23: {  	[sflag:s8] =	ssyncadd.s32 $0xFFFFC000  }
0x24: {  	_ =	swait.ge [sflag:s8], $0x4000  }
0x25: {  	[sflag:s8] =	ssyncset.done $0x0  }
0x26: {  	[sflag:s8] =	ssyncadd.s32 $0xFFFFC000  }
0x27: {  	_ =	swait.ge [sflag:s8], $0x4000  }
0x28: {  	s9 =	sadd.s32 $0x1, s9;
	s31 =	rddreg [dreg:$0xf]  }
0x29: {  	p0 =	sne.s32 s9, s31  }
.Ltmp1:
0x2a: {  	_ = 	snop;
	(pc) =	sbr.rel @!p0 .LBB2_18-.Ltmp1, $3  }
0x2b: {  	_ =	sdelay $0x1  }
0x2c: {  	[sflag:s8] =	ssyncset.done $0x0  }
0x2d: {  	[sflag:s8] =	ssyncadd.s32 $0xFFFFC000  }
.LBB2_1:
0x2e: {  	s0 =	rddreg [dreg:$0xb]  }
0x2f: {  	[tilespmem:s6], [sflag:$0x6] =	stream.strided.gather [hbm4b:s0+s18], $0x200, s19, s18, $0x38;
	[tilespmem:$0x1DC80] =	vst v63  }
0x30: {  	_ =	swait.ge [sflag:s24], $0x200  }
0x31: {  	[sflag:s24] =	ssyncset.done $0x0  }
0x32: {  	s15 =	rddreg [dreg:$0xc];
	[sflag:s24] =	ssyncadd.s32 $0xFFFFFE00  }
0x33: {  	[tilespmem:s20], [sflag:$0x6] =	stream.linear.gather [hbm4b:s15+s6], $0x200, $0x38;
	[tilespmem:$0x1DC80] =	vst v63  }
0x34: {  	_ =	swait.ge [sflag:s24], $0x200  }
0x35: {  	[sflag:s24] =	ssyncset.done $0x0  }
0x36: {  	s4 =	simm.s32 $0x1C480;
	s16 =	rddreg [dreg:$0x9];
	[sflag:s24] =	ssyncadd.s32 $0xFFFFFE00  }
0x37: {  	[tilespmem:s4], [sflag:$0x6] =	stream.linear.gather [hbm4b:s16+s6], $0x1000, $0x38;
	[tilespmem:$0x1DC80] =	vst v63  }
0x38: {  	_ =	swait.ge [sflag:s24], $0x1000  }
0x39: {  	[sflag:s24] =	ssyncset.done $0x0  }
0x3a: {  	s21 =	simm.s32 $0x1D480;
	s17 =	rddreg [dreg:$0x7];
	[sflag:s24] =	ssyncadd.s32 $0xFFFFF000  }
0x3b: {  	[tilespmem:s21], [sflag:$0x6] =	stream.linear.gather [hbm4b:s17+s6], $0x800, $0x38;
	[tilespmem:$0x1DC80] =	vst v63  }
0x3c: {  	_ =	swait.ge [sflag:s24], $0x800  }
0x3d: {  	[sflag:s24] =	ssyncset.done $0x0  }
0x3e: {  	[sflag:s24] =	ssyncadd.s32 $0xFFFFF800  }
0x3f: {  	v2 =	vld [tilespmem:$0x0]  }
0x40: {  	v3 =	vld [tilespmem:$0x1F0];
	_ =	sdelay $0x3  }
0x41: {  	(v2sf) =	vpush v2, $0x0  }
0x42: {  	(v2sf) =	vpush v3, $0xF;
	_ =	sdelay $0xd  }
0x43: {  	s14 =	spop (v2sf)  }
0x44: {  	s22 =	spop (v2sf)  }
0x45: {  	s10 =	sshra.s32 s14, $0x7;
	s0 =	sshra.s32 s22, $0x7  }
0x46: {  	s29 =	ssub.s32 s0, s10;
	p0 =	sne.s32 s0, s10;
	s0 =	simm.s32 $0x1  }
0x47: {  	s13 =	sshra.s32 s29, $0x1F;
	s0 =	simm.s32 @!p0 $0x0  }
0x48: {  	s30 =	sand.u32 $0x1, s29;
	s0 =	sor.u32 s0, s13  }
0x49: {  	p1 =	seq.s32 s30, $0x1;
	p6 =	sne.s32 s0, $0x1  }
0x4a: {  	s31 =	sshrl.u32 s29, $0x1F;
	p0 =	por !p6, !p1  }
0x4b: {  	s4 =	simm.s32 $0x1;
	s0 =	sadd.s32 s31, s29;
	p0 =	por !p0, !p0  }
0x4c: {  	s15 =	sshra.s32 s0, $0x1;
	s4 =	simm.s32 @!p0 $0x0  }
0x4d: {  	s13 =	ssub.s32 s15, s4  }
0x4e: {  	p1 =	slt.s32 s13, $0x0  }
.Ltmp2:
0x4f: {  	_ = 	snop;
	(pc) =	sbr.rel @p1 .LBB2_9-.Ltmp2, $1  }
0x50: {  	_ =	sdelay $0x3  }
0x51: {  	p1 =	slt.s32 s10, $0x1E82;
	s0 =	smov.u32 s10  }
0x52: {  	s0 =	simm.s32 @!p1 $0x1E82  }
0x53: {  	s0 =	sshll.u32 s0, $0x7  }
0x54: {  	s0 =	sand.u32 $0x1FFFFF80, s0  }
0x55: {  	p1 =	seq.s32 s13, $0x0;
	s4 =	sadd.s32 s3, s0  }
0x56: {  	[tilespmem:s26], [sflag:$0x1] =	stream.strided.gather [hbm4b:s4+s23], $0x2000, s25, s23, $0x38;
	[tilespmem:$0x1DC80] =	vst v63  }
0x57: {  	p2 =	slt.s32 @!p1 s10, $0x1E80;
	s0 =	sadd.s32 s1, s0  }
0x58: {  	[tilespmem:s28], [sflag:$0x1] =	stream.strided.gather [hbm4b:s0+s23], $0x1000, s25, s23, $0x38;
	[tilespmem:$0x1DC80] =	vst v63  }
0x59: {  	p2 =	por !p2, p1;
	s0 =	smov.u32 s10  }
0x5a: {  	s0 =	simm.s32 @p2 $0x1E80  }
0x5b: {  	s0 =	sshll.u32 @!p1 s0, $0xA  }
0x5c: {  	s16 =	simm.s32 @!p1 $0x800;
	p2 =	seq.s32 @!p1 s13, $0x1;
	s0 =	sadd.s32 @!p1 $0x800, s0  }
0x5d: {  	s17 =	simm.s32 @!p1 $0x7A1400;
	p3 =	por p2, p1;
	s0 =	sshrl.u32 @!p1 s0, $0x3  }
0x5e: {  	s21 =	simm.s32 @!p1 $0x2480;
	p4 =	slt.s32 @!p3 s10, $0x1E7E;
	s4 =	sadd.s32 @!p1 s3, s0  }
0x5f: {  	[tilespmem:s21], [sflag:$0x2] =	stream.strided.gather @!p1 [hbm4b:s4+s16], $0x2000, s17, s16, $0x38;
	[tilespmem:$0x1DC80] =	vst v63  }
0x60: {  	p4 =	por @!p1 !p4, p2;
	s0 =	sadd.s32 @!p1 s1, s0;
	s4 =	simm.s32 @!p1 $0x9480  }
0x61: {  	[tilespmem:s4], [sflag:$0x2] =	stream.strided.gather @!p1 [hbm4b:s0+s16], $0x1000, s17, s16, $0x38;
	[tilespmem:$0x1DC80] =	vst v63  }
0x62: {  	p4 =	por !p4, p1;
	s0 =	smov.u32 s10  }
0x63: {  	p5 =	slt.u32 @!p3 s13, $0x3;
	s0 =	simm.s32 @!p4 $0x1E7E  }
0x64: {  	p4 =	por @!p1 p5, p2;
	s0 =	sshll.u32 @!p3 s0, $0xA  }
0x65: {  	s21 =	simm.s32 @!p3 $0x4480;
	p4 =	por p4, p1;
	s0 =	sadd.s32 @!p3 $0x1000, s0  }
0x66: {  	s16 =	simm.s32 @!p3 $0x800;
	p6 =	slt.s32 @!p4 s10, $0x1E7C;
	s0 =	sshrl.u32 @!p3 s0, $0x3  }
0x67: {  	s17 =	simm.s32 @!p3 $0x7A1400;
	p5 =	por @!p3 !p6, p5;
	s4 =	sadd.s32 @!p3 s3, s0  }
0x68: {  	[tilespmem:s21], [sflag:$0x3] =	stream.strided.gather @!p3 [hbm4b:s4+s16], $0x2000, s17, s16, $0x38;
	[tilespmem:$0x1DC80] =	vst v63  }
0x69: {  	s0 =	sadd.s32 @!p3 s1, s0;
	p2 =	por @!p1 !p5, p2;
	s4 =	simm.s32 @!p3 $0xA480  }
0x6a: {  	[tilespmem:s4], [sflag:$0x3] =	stream.strided.gather @!p3 [hbm4b:s0+s16], $0x1000, s17, s16, $0x38;
	[tilespmem:$0x1DC80] =	vst v63  }
0x6b: {  	p1 =	por !p2, p1;
	s0 =	smov.u32 s10  }
0x6c: {  	s0 =	simm.s32 @p1 $0x1E7C  }
0x6d: {  	s0 =	sshll.u32 @!p4 s0, $0xA  }
0x6e: {  	s0 =	sadd.s32 @!p4 $0x1800, s0  }
0x6f: {  	s21 =	simm.s32 @!p4 $0x6480;
	s0 =	sshrl.u32 @!p4 s0, $0x3  }
0x70: {  	s16 =	simm.s32 @!p4 $0x800;
	s17 =	simm.s32 @!p4 $0x7A1400;
	s4 =	sadd.s32 @!p4 s3, s0  }
0x71: {  	[tilespmem:s21], [sflag:$0x4] =	stream.strided.gather @!p4 [hbm4b:s4+s16], $0x2000, s17, s16, $0x38;
	[tilespmem:$0x1DC80] =	vst v63  }
0x72: {  	s0 =	sadd.s32 @!p4 s1, s0;
	s4 =	simm.s32 @!p4 $0xB480  }
0x73: {  	[tilespmem:s4], [sflag:$0x4] =	stream.strided.gather @!p4 [hbm4b:s0+s16], $0x1000, s17, s16, $0x38;
	[tilespmem:$0x1DC80] =	vst v63  }
0x74: {  	v2 =	vld [tilespmem:$0x0];
	_ =	sdelay $0x4  }
0x75: {  	(v2sf) =	vpush v2, $0x0;
	_ =	sdelay $0xa  }
.Ltmp3:
0x76: {  	_ = 	snop;
	(pc) =	sbr.rel .LBB2_3-.Ltmp3, $4  }
0x77: {  	s0 =	simm.s32 $0xFFFFFFFF  }
0x78: {  	s0 =	simm.s32 @!p0 $0x0  }
0x79: {  	s14 =	sand.u32 $0xFFFFFF80, s14;
	s21 =	simm.s32 $0x0;
	s0 =	sadd.s32 s0, s15  }
0x7a: {  	s16 =	simm.s32 $0x0;
	s15 =	sadd.s32 $0x1, s0;
	s30 =	spop (v2sf)  }
.LBB2_4:
0x7b: {  	s16 =	smov.u32 @p0 s16;
	s30 =	smov.u32 @p0 s30  }
.LBB2_8:
0x7c: {  	s0 =	sadd.s32 $0x4, s21  }
0x7d: {  	p0 =	sgt.s32 s0, s13  }
0x7e: {  	s0 =	sshll.u32 @!p0 s0, $0x1  }
0x7f: {  	s0 =	sadd.s32 @!p0 s10, s0  }
0x80: {  	p1 =	slt.s32 @!p0 s0, $0x1E82  }
0x81: {  	p1 =	por !p1, p0  }
0x82: {  	s0 =	simm.s32 @p1 $0x1E82  }
0x83: {  	s4 =	sshll.u32 s22, $0xD;
	s0 =	sshll.u32 @!p0 s0, $0x7  }
0x84: {  	s7 =	sshll.u32 s22, $0xC;
	s4 =	sor.u32 $0x480, s4;
	s0 =	sand.u32 @!p0 $0x1FFFFF80, s0  }
0x85: {  	s22 =	simm.s32 @!p0 $0x800;
	s31 =	simm.s32 @!p0 $0x7A1400;
	s21 =	sadd.s32 @!p0 s3, s0  }
0x86: {  	[tilespmem:s4], [sflag:s17] =	stream.strided.gather @!p0 [hbm4b:s21+s22], $0x2000, s31, s22, $0x38;
	[tilespmem:$0x1DC80] =	vst v63  }
0x87: {  	s0 =	sadd.s32 @!p0 s1, s0;
	s4 =	sor.u32 $0x8480, s7  }
0x88: {  	[tilespmem:s4], [sflag:s17] =	stream.strided.gather @!p0 [hbm4b:s0+s22], $0x1000, s31, s22, $0x38;
	[tilespmem:$0x1DC80] =	vst v63  }
0x89: {  	p0 =	sne.s32 s29, s15  }
.Ltmp4:
0x8a: {  	_ = 	snop;
	(pc) =	sbr.rel @!p0 .LBB2_9-.Ltmp4, $2  }
0x8b: {  	_ =	sdelay $0x2  }
0x8c: {  	s21 =	smov.u32 s29  }
.LBB2_3:
0x8d: {  	s29 =	sadd.s32 $0x1, s21  }
0x8e: {  	s0 =	sshll.u32 s29, $0x8  }
0x8f: {  	s22 =	sand.u32 $0x3, s21;
	p0 =	sgt.s32 s16, $0x1FF;
	s31 =	sadd.s32 s14, s0  }
0x90: {  	s17 =	sadd.s32 $0x1, s22;
	p1 =	sge.s32 @!p0 s30, s31  }
0x91: {  	_ =	swait.ge [sflag:s17], $0x2000;
	p1 =	por p0, p1  }
.Ltmp5:
0x92: {  	[sflag:s17] =	ssyncset.done $0x0;
	(pc) =	sbr.rel @p1 .LBB2_4-.Ltmp5, $4  }
0x93: {  	[sflag:s17] =	ssyncadd.s32 $0xFFFFE000  }
0x94: {  	_ =	swait.ge [sflag:s17], $0x1000  }
0x95: {  	[sflag:s17] =	ssyncset.done $0x0  }
0x96: {  	[sflag:s17] =	ssyncadd.s32 $0xFFFFF000  }
0x97: {  	s0 =	sshll.u32 s21, $0x1  }
0x98: {  	s0 =	sadd.s32 s10, s0  }
0x99: {  	v2 =	vmov s22;
	s4 =	sshll.u32 s16, $0x9;
	p0 =	slt.s32 s0, $0x1E82  }
0x9a: {  	v3 =	vshll.u32 v2, $0xD;
	v4 =	vshll.u32 v2, $0xC;
	s7 =	sshra.s32 s4, $0x2;
	s0 =	simm.s32 @!p0 $0x1E82  }
0x9b: {  	v2 =	vor.u32 v0, v3;
	v3 =	vor.u32 v1, v3;
	v4 =	vor.u32 v0, v4;
	s4 =	sshll.u32 s0, $0x7;
	s0 =	sadd.s32 $0xC4A0, s7  }
.LBB2_6:
0x9c: {  	s7 =	ssub.s32 s30, s4  }
0x9d: {  	v5 =	vmov s7  }
0x9e: {  	vm0 =	vlt.s32 v5, $0xFF  }
0x9f: {  	v5 =	vnsel vm0, $0xFF, v5  }
0xa0: {  	v5 =	vbroadcast v5, $0x0;
	_ =	sdelay $0x1  }
0xa1: {  	v6 =	vand.u32 $0x7F, v5;
	v5 =	vshll.u32 v5, $0x3  }
0xa2: {  	v5 =	vand.u32 $0xFFFFFC00, v5;
	v7 =	vor.u32 v6, v2  }
0xa3: {  	v7 =	vadd.s32 v5, v7;
	_ =	sdelay $0x4  }
0xa4: {  	v8 =	vor.u32 v6, v3;
	v7 =	vld.idx.msk [tilespmem:v7+s26+$0x0], $0xffff  }
0xa5: {  	v8 =	vadd.s32 v5, v8;
	_ =	sdelay $0x3  }
0xa6: {  	[tilespmem:s0+$0xFFFFFFE0] =	vst v7  }
0xa7: {  	v6 =	vor.u32 v6, v4;
	v7 =	vld.idx.msk [tilespmem:v8+s26+$0x0], $0xffff  }
0xa8: {  	v5 =	vadd.s32 v5, v6;
	_ =	sdelay $0x1  }
0xa9: {  	p0 =	slt.s32 s30, $0xF4200;
	v6 =	vmov s30  }
0xaa: {  	v6 =	vadd.s32 @!p0 $0xFFF0BE00, v6;
	v8 =	vlaneseq.u32 @!p0  }
0xab: {  	v6 =	vbroadcast @!p0 v6, $0x0;
	[tilespmem:s0+$0xFFFFFFF0] =	vst v7;
	v7 =	vmul.u32 @!p0 $0x80, v8  }
0xac: {  	v5 =	vld.idx.msk [tilespmem:v5+s28+$0x0], $0xffff  }
0xad: {  	v8 =	vadd.s32 @!p0 v7, v6;
	_ =	sdelay $0x3  }
0xae: {  	s7 =	simm.s32 @!p0 $0x1C480;
	[tilespmem:s0+$0x0] =	vst v5  }
0xaf: {  	v7 =	vor.u32 @!p0 $0x800, v7;
	v5 =	vld.idx.msk @!p0 [tilespmem:v8+s7+$0x0], $0xffff  }
0xb0: {  	v6 =	vadd.s32 @!p0 v7, v6;
	_ =	sdelay $0x3  }
0xb1: {  	[tilespmem:s0+$0xFFFFFFE0] =	vst @!p0 v5  }
0xb2: {  	v5 =	vld.idx.msk @!p0 [tilespmem:v6+s7+$0x0], $0xffff;
	_ =	sdelay $0x4  }
0xb3: {  	s7 =	simm.s32 @!p0 $0x1D480;
	[tilespmem:s0+$0xFFFFFFF0] =	vst @!p0 v5  }
0xb4: {  	v5 =	vld.idx.msk @!p0 [tilespmem:v8+s7+$0x0], $0xffff;
	_ =	sdelay $0x2  }
0xb5: {  	s7 =	smov.u32 s16;
	s16 =	sadd.s32 $0x1, s16  }
0xb6: {  	p1 =	slt.s32 s16, $0x1FF;
	s30 =	smov.u32 s16  }
0xb7: {  	s30 =	simm.s32 @!p1 $0x1FF;
	[tilespmem:s0+$0x0] =	vst @!p0 v5  }
0xb8: {  	v5 =	vld [tilespmem:s30+$0x0];
	_ =	sdelay $0x4  }
0xb9: {  	(v2sf) =	vpush v5, $0x0;
	_ =	sdelay $0xe  }
0xba: {  	p0 =	sgt.s32 s7, $0x1FE;
	s30 =	spop (v2sf)  }
0xbb: {  	p1 =	slt.s32 @!p0 s30, s31  }
0xbc: {  	p1 =	por p0, !p1  }
.Ltmp6:
0xbd: {  	_ = 	snop;
	(pc) =	sbr.rel @!p1 .LBB2_6-.Ltmp6, $2  }
0xbe: {  	_ =	sdelay $0x2  }
0xbf: {  	s0 =	sadd.s32 $0x80, s0  }
.Ltmp7:
0xc0: {  	(pc) =	sbr.rel .LBB2_8-.Ltmp7, $2  }
0xc1: {  	_ =	sdelay $0x2  }
0xc2: {  	s16 =	smov.u32 @p0 s16;
	s30 =	smov.u32 @p0 s30  }
.LBB2_9:
0xc3: {  	s0 =	simm.s32 $0xC480  }
0xc4: {  	[hbm4b:s11+s18] =	stream.indirect.scatter [tilespmem:s0], [sflag:$0x5], $0x80, s20, s18, $0xb8;
	[tilespmem:$0x1DC80] =	vst v63  }
0xc5: {  	s31 =	simm.s32 $0x300;
	s4 =	simm.s32 $0x10480  }
0xc6: {  	[hbm4b:s11+s18] =	stream.indirect.scatter [tilespmem:s4], [sflag:$0x5], $0x80, s31, s18, $0xb8;
	[tilespmem:$0x1DC80] =	vst v63  }
0xc7: {  	s7 =	simm.s32 $0x14480;
	s4 =	simm.s32 $0x380  }
0xc8: {  	[hbm4b:s11+s18] =	stream.indirect.scatter [tilespmem:s7], [sflag:$0x5], $0x80, s4, s18, $0xb8;
	[tilespmem:$0x1DC80] =	vst v63  }
0xc9: {  	s10 =	simm.s32 $0x18480  }
0xca: {  	[hbm4b:s11+s18] =	stream.indirect.scatter [tilespmem:s10], [sflag:$0x5], $0x80, s19, s18, $0xb8;
	[tilespmem:$0x1DC80] =	vst v63  }
0xcb: {  	_ =	swait.ge [sflag:s8], $0x4000  }
0xcc: {  	[sflag:s8] =	ssyncset.done $0x0  }
0xcd: {  	[sflag:s8] =	ssyncadd.s32 $0xFFFFC000  }
0xce: {  	_ =	swait.ge [sflag:s8], $0x4000  }
0xcf: {  	[sflag:s8] =	ssyncset.done $0x0  }
0xd0: {  	[sflag:s8] =	ssyncadd.s32 $0xFFFFC000  }
0xd1: {  	_ =	swait.ge [sflag:s8], $0x4000  }
0xd2: {  	[sflag:s8] =	ssyncset.done $0x0  }
0xd3: {  	[sflag:s8] =	ssyncadd.s32 $0xFFFFC000  }
0xd4: {  	_ =	swait.ge [sflag:s8], $0x4000  }
0xd5: {  	[sflag:s8] =	ssyncset.done $0x0  }
0xd6: {  	s13 =	rddreg [dreg:$0xd];
	[sflag:s8] =	ssyncadd.s32 $0xFFFFC000  }
0xd7: {  	[tilespmem:s6], [sflag:$0x6] =	stream.strided.gather [hbm4b:s13+s18], $0x200, s19, s18, $0x38;
	[tilespmem:$0x1DC80] =	vst v63  }
0xd8: {  	_ =	swait.ge [sflag:s24], $0x200  }
0xd9: {  	[sflag:s24] =	ssyncset.done $0x0  }
0xda: {  	s14 =	rddreg [dreg:$0xe];
	[sflag:s24] =	ssyncadd.s32 $0xFFFFFE00  }
0xdb: {  	[tilespmem:s20], [sflag:$0x6] =	stream.linear.gather [hbm4b:s14+s6], $0x200, $0x38;
	[tilespmem:$0x1DC80] =	vst v63  }
0xdc: {  	_ =	swait.ge [sflag:s24], $0x200  }
0xdd: {  	[sflag:s24] =	ssyncset.done $0x0  }
0xde: {  	s16 =	simm.s32 $0x1C480;
	s15 =	rddreg [dreg:$0xa];
	[sflag:s24] =	ssyncadd.s32 $0xFFFFFE00  }
0xdf: {  	[tilespmem:s16], [sflag:$0x6] =	stream.linear.gather [hbm4b:s15+s6], $0x1000, $0x38;
	[tilespmem:$0x1DC80] =	vst v63  }
0xe0: {  	_ =	swait.ge [sflag:s24], $0x1000  }
0xe1: {  	[sflag:s24] =	ssyncset.done $0x0  }
0xe2: {  	s21 =	simm.s32 $0x1D480;
	s17 =	rddreg [dreg:$0x8];
	[sflag:s24] =	ssyncadd.s32 $0xFFFFF000  }
0xe3: {  	[tilespmem:s21], [sflag:$0x6] =	stream.linear.gather [hbm4b:s17+s6], $0x800, $0x38;
	[tilespmem:$0x1DC80] =	vst v63  }
0xe4: {  	_ =	swait.ge [sflag:s24], $0x800  }
0xe5: {  	[sflag:s24] =	ssyncset.done $0x0  }
0xe6: {  	[sflag:s24] =	ssyncadd.s32 $0xFFFFF800  }
0xe7: {  	v2 =	vld [tilespmem:$0x0]  }
0xe8: {  	v3 =	vld [tilespmem:$0x1F0];
	_ =	sdelay $0x3  }
0xe9: {  	(v2sf) =	vpush v2, $0x0  }
0xea: {  	(v2sf) =	vpush v3, $0xF;
	_ =	sdelay $0xd  }
0xeb: {  	s14 =	spop (v2sf)  }
0xec: {  	s22 =	spop (v2sf)  }
0xed: {  	s10 =	sshra.s32 s14, $0x7;
	s0 =	sshra.s32 s22, $0x7  }
0xee: {  	s29 =	ssub.s32 s0, s10;
	p0 =	sne.s32 s0, s10;
	s0 =	simm.s32 $0x1  }
0xef: {  	s7 =	sshra.s32 s29, $0x1F;
	s0 =	simm.s32 @!p0 $0x0  }
0xf0: {  	s30 =	sand.u32 $0x1, s29;
	s0 =	sor.u32 s0, s7  }
0xf1: {  	p1 =	seq.s32 s30, $0x1;
	p6 =	sne.s32 s0, $0x1  }
0xf2: {  	s31 =	sshrl.u32 s29, $0x1F;
	p0 =	por !p6, !p1  }
0xf3: {  	s4 =	simm.s32 $0x1;
	s0 =	sadd.s32 s31, s29;
	p0 =	por !p0, !p0  }
0xf4: {  	s15 =	sshra.s32 s0, $0x1;
	s4 =	simm.s32 @!p0 $0x0  }
0xf5: {  	s13 =	ssub.s32 s15, s4  }
0xf6: {  	p1 =	slt.s32 s13, $0x0  }
.Ltmp8:
0xf7: {  	_ = 	snop;
	(pc) =	sbr.rel @p1 .LBB2_17-.Ltmp8, $1  }
0xf8: {  	_ =	sdelay $0x3  }
0xf9: {  	p1 =	slt.s32 s10, $0x1E82;
	s0 =	smov.u32 s10  }
0xfa: {  	s0 =	simm.s32 @!p1 $0x1E82  }
0xfb: {  	s0 =	sshll.u32 s0, $0x7  }
0xfc: {  	s0 =	sand.u32 $0x1FFFFF80, s0  }
0xfd: {  	p1 =	seq.s32 s13, $0x0;
	s4 =	sadd.s32 s5, s0  }
0xfe: {  	[tilespmem:s26], [sflag:$0x1] =	stream.strided.gather [hbm4b:s4+s23], $0x2000, s25, s23, $0x38;
	[tilespmem:$0x1DC80] =	vst v63  }
0xff: {  	p2 =	slt.s32 @!p1 s10, $0x1E80;
	s0 =	sadd.s32 s2, s0  }
0x100: {  	[tilespmem:s28], [sflag:$0x1] =	stream.strided.gather [hbm4b:s0+s23], $0x1000, s25, s23, $0x38;
	[tilespmem:$0x1DC80] =	vst v63  }
0x101: {  	p2 =	por !p2, p1;
	s0 =	smov.u32 s10  }
0x102: {  	s0 =	simm.s32 @p2 $0x1E80  }
0x103: {  	s0 =	sshll.u32 @!p1 s0, $0xA  }
0x104: {  	s7 =	simm.s32 @!p1 $0x800;
	p2 =	seq.s32 @!p1 s13, $0x1;
	s0 =	sadd.s32 @!p1 $0x800, s0  }
0x105: {  	s16 =	simm.s32 @!p1 $0x7A1400;
	p3 =	por p2, p1;
	s0 =	sshrl.u32 @!p1 s0, $0x3  }
0x106: {  	s17 =	simm.s32 @!p1 $0x2480;
	p4 =	slt.s32 @!p3 s10, $0x1E7E;
	s4 =	sadd.s32 @!p1 s5, s0  }
0x107: {  	[tilespmem:s17], [sflag:$0x2] =	stream.strided.gather @!p1 [hbm4b:s4+s7], $0x2000, s16, s7, $0x38;
	[tilespmem:$0x1DC80] =	vst v63  }
0x108: {  	p4 =	por @!p1 !p4, p2;
	s0 =	sadd.s32 @!p1 s2, s0;
	s4 =	simm.s32 @!p1 $0x9480  }
0x109: {  	[tilespmem:s4], [sflag:$0x2] =	stream.strided.gather @!p1 [hbm4b:s0+s7], $0x1000, s16, s7, $0x38;
	[tilespmem:$0x1DC80] =	vst v63  }
0x10a: {  	p4 =	por !p4, p1;
	s0 =	smov.u32 s10  }
0x10b: {  	p5 =	slt.u32 @!p3 s13, $0x3;
	s0 =	simm.s32 @!p4 $0x1E7E  }
0x10c: {  	p4 =	por @!p1 p5, p2;
	s0 =	sshll.u32 @!p3 s0, $0xA  }
0x10d: {  	s17 =	simm.s32 @!p3 $0x4480;
	p4 =	por p4, p1;
	s0 =	sadd.s32 @!p3 $0x1000, s0  }
0x10e: {  	s7 =	simm.s32 @!p3 $0x800;
	p6 =	slt.s32 @!p4 s10, $0x1E7C;
	s0 =	sshrl.u32 @!p3 s0, $0x3  }
0x10f: {  	s16 =	simm.s32 @!p3 $0x7A1400;
	p5 =	por @!p3 !p6, p5;
	s4 =	sadd.s32 @!p3 s5, s0  }
0x110: {  	[tilespmem:s17], [sflag:$0x3] =	stream.strided.gather @!p3 [hbm4b:s4+s7], $0x2000, s16, s7, $0x38;
	[tilespmem:$0x1DC80] =	vst v63  }
0x111: {  	s0 =	sadd.s32 @!p3 s2, s0;
	p2 =	por @!p1 !p5, p2;
	s4 =	simm.s32 @!p3 $0xA480  }
0x112: {  	[tilespmem:s4], [sflag:$0x3] =	stream.strided.gather @!p3 [hbm4b:s0+s7], $0x1000, s16, s7, $0x38;
	[tilespmem:$0x1DC80] =	vst v63  }
0x113: {  	p1 =	por !p2, p1;
	s0 =	smov.u32 s10  }
0x114: {  	s0 =	simm.s32 @p1 $0x1E7C  }
0x115: {  	s0 =	sshll.u32 @!p4 s0, $0xA  }
0x116: {  	s0 =	sadd.s32 @!p4 $0x1800, s0  }
0x117: {  	s17 =	simm.s32 @!p4 $0x6480;
	s0 =	sshrl.u32 @!p4 s0, $0x3  }
0x118: {  	s7 =	simm.s32 @!p4 $0x800;
	s16 =	simm.s32 @!p4 $0x7A1400;
	s4 =	sadd.s32 @!p4 s5, s0  }
0x119: {  	[tilespmem:s17], [sflag:$0x4] =	stream.strided.gather @!p4 [hbm4b:s4+s7], $0x2000, s16, s7, $0x38;
	[tilespmem:$0x1DC80] =	vst v63  }
0x11a: {  	s0 =	sadd.s32 @!p4 s2, s0;
	s4 =	simm.s32 @!p4 $0xB480  }
0x11b: {  	[tilespmem:s4], [sflag:$0x4] =	stream.strided.gather @!p4 [hbm4b:s0+s7], $0x1000, s16, s7, $0x38;
	[tilespmem:$0x1DC80] =	vst v63  }
0x11c: {  	v2 =	vld [tilespmem:$0x0];
	_ =	sdelay $0x4  }
0x11d: {  	(v2sf) =	vpush v2, $0x0;
	_ =	sdelay $0xa  }
.Ltmp9:
0x11e: {  	_ = 	snop;
	(pc) =	sbr.rel .LBB2_11-.Ltmp9, $4  }
0x11f: {  	s0 =	simm.s32 $0xFFFFFFFF  }
0x120: {  	s0 =	simm.s32 @!p0 $0x0  }
0x121: {  	s14 =	sand.u32 $0xFFFFFF80, s14;
	s29 =	simm.s32 $0x0;
	s0 =	sadd.s32 s0, s15  }
0x122: {  	s16 =	simm.s32 $0x0;
	s15 =	sadd.s32 $0x1, s0;
	s30 =	spop (v2sf)  }
.LBB2_12:
0x123: {  	s16 =	smov.u32 @p0 s16;
	s30 =	smov.u32 @p0 s30  }
.LBB2_16:
0x124: {  	s0 =	sadd.s32 $0x4, s29  }
0x125: {  	p0 =	sgt.s32 s0, s13  }
0x126: {  	s0 =	sshll.u32 @!p0 s0, $0x1  }
0x127: {  	s0 =	sadd.s32 @!p0 s10, s0  }
0x128: {  	p1 =	slt.s32 @!p0 s0, $0x1E82  }
0x129: {  	p1 =	por !p1, p0  }
0x12a: {  	s0 =	simm.s32 @p1 $0x1E82  }
0x12b: {  	s4 =	sshll.u32 s22, $0xD;
	s0 =	sshll.u32 @!p0 s0, $0x7  }
0x12c: {  	s7 =	sshll.u32 s22, $0xC;
	s4 =	sor.u32 $0x480, s4;
	s0 =	sand.u32 @!p0 $0x1FFFFF80, s0  }
0x12d: {  	s29 =	simm.s32 @!p0 $0x800;
	s31 =	simm.s32 @!p0 $0x7A1400;
	s22 =	sadd.s32 @!p0 s5, s0  }
0x12e: {  	[tilespmem:s4], [sflag:s17] =	stream.strided.gather @!p0 [hbm4b:s22+s29], $0x2000, s31, s29, $0x38;
	[tilespmem:$0x1DC80] =	vst v63  }
0x12f: {  	s0 =	sadd.s32 @!p0 s2, s0;
	s4 =	sor.u32 $0x8480, s7  }
0x130: {  	[tilespmem:s4], [sflag:s17] =	stream.strided.gather @!p0 [hbm4b:s0+s29], $0x1000, s31, s29, $0x38;
	[tilespmem:$0x1DC80] =	vst v63  }
0x131: {  	p0 =	sne.s32 s21, s15  }
.Ltmp10:
0x132: {  	_ = 	snop;
	(pc) =	sbr.rel @!p0 .LBB2_17-.Ltmp10, $2  }
0x133: {  	_ =	sdelay $0x2  }
0x134: {  	s29 =	smov.u32 s21  }
.LBB2_11:
0x135: {  	s21 =	sadd.s32 $0x1, s29  }
0x136: {  	s0 =	sshll.u32 s21, $0x8  }
0x137: {  	s22 =	sand.u32 $0x3, s29;
	p0 =	sgt.s32 s16, $0x1FF;
	s31 =	sadd.s32 s14, s0  }
0x138: {  	s17 =	sadd.s32 $0x1, s22;
	p1 =	sge.s32 @!p0 s30, s31  }
0x139: {  	_ =	swait.ge [sflag:s17], $0x2000;
	p1 =	por p0, p1  }
.Ltmp11:
0x13a: {  	[sflag:s17] =	ssyncset.done $0x0;
	(pc) =	sbr.rel @p1 .LBB2_12-.Ltmp11, $4  }
0x13b: {  	[sflag:s17] =	ssyncadd.s32 $0xFFFFE000  }
0x13c: {  	_ =	swait.ge [sflag:s17], $0x1000  }
0x13d: {  	[sflag:s17] =	ssyncset.done $0x0  }
0x13e: {  	[sflag:s17] =	ssyncadd.s32 $0xFFFFF000  }
0x13f: {  	s0 =	sshll.u32 s29, $0x1  }
0x140: {  	s0 =	sadd.s32 s10, s0  }
0x141: {  	v2 =	vmov s22;
	s4 =	sshll.u32 s16, $0x9;
	p0 =	slt.s32 s0, $0x1E82  }
0x142: {  	v3 =	vshll.u32 v2, $0xD;
	v4 =	vshll.u32 v2, $0xC;
	s7 =	sshra.s32 s4, $0x2;
	s0 =	simm.s32 @!p0 $0x1E82  }
0x143: {  	v2 =	vor.u32 v0, v3;
	v3 =	vor.u32 v1, v3;
	v4 =	vor.u32 v0, v4;
	s4 =	sshll.u32 s0, $0x7;
	s0 =	sadd.s32 $0xC4A0, s7  }
.LBB2_14:
0x144: {  	s7 =	ssub.s32 s30, s4  }
0x145: {  	v5 =	vmov s7  }
0x146: {  	vm0 =	vlt.s32 v5, $0xFF  }
0x147: {  	v5 =	vnsel vm0, $0xFF, v5  }
0x148: {  	v5 =	vbroadcast v5, $0x0;
	_ =	sdelay $0x1  }
0x149: {  	v6 =	vand.u32 $0x7F, v5;
	v5 =	vshll.u32 v5, $0x3  }
0x14a: {  	v5 =	vand.u32 $0xFFFFFC00, v5;
	v7 =	vor.u32 v6, v2  }
0x14b: {  	v7 =	vadd.s32 v5, v7;
	_ =	sdelay $0x4  }
0x14c: {  	v8 =	vor.u32 v6, v3;
	v7 =	vld.idx.msk [tilespmem:v7+s26+$0x0], $0xffff  }
0x14d: {  	v8 =	vadd.s32 v5, v8;
	_ =	sdelay $0x3  }
0x14e: {  	[tilespmem:s0+$0xFFFFFFE0] =	vst v7  }
0x14f: {  	v6 =	vor.u32 v6, v4;
	v7 =	vld.idx.msk [tilespmem:v8+s26+$0x0], $0xffff  }
0x150: {  	v5 =	vadd.s32 v5, v6;
	_ =	sdelay $0x1  }
0x151: {  	p0 =	slt.s32 s30, $0xF4200;
	v6 =	vmov s30  }
0x152: {  	v6 =	vadd.s32 @!p0 $0xFFF0BE00, v6;
	v8 =	vlaneseq.u32 @!p0  }
0x153: {  	v6 =	vbroadcast @!p0 v6, $0x0;
	[tilespmem:s0+$0xFFFFFFF0] =	vst v7;
	v7 =	vmul.u32 @!p0 $0x80, v8  }
0x154: {  	v5 =	vld.idx.msk [tilespmem:v5+s28+$0x0], $0xffff  }
0x155: {  	v8 =	vadd.s32 @!p0 v7, v6;
	_ =	sdelay $0x3  }
0x156: {  	s7 =	simm.s32 @!p0 $0x1C480;
	[tilespmem:s0+$0x0] =	vst v5  }
0x157: {  	v7 =	vor.u32 @!p0 $0x800, v7;
	v5 =	vld.idx.msk @!p0 [tilespmem:v8+s7+$0x0], $0xffff  }
0x158: {  	v6 =	vadd.s32 @!p0 v7, v6;
	_ =	sdelay $0x3  }
0x159: {  	[tilespmem:s0+$0xFFFFFFE0] =	vst @!p0 v5  }
0x15a: {  	v5 =	vld.idx.msk @!p0 [tilespmem:v6+s7+$0x0], $0xffff;
	_ =	sdelay $0x4  }
0x15b: {  	s7 =	simm.s32 @!p0 $0x1D480;
	[tilespmem:s0+$0xFFFFFFF0] =	vst @!p0 v5  }
0x15c: {  	v5 =	vld.idx.msk @!p0 [tilespmem:v8+s7+$0x0], $0xffff;
	_ =	sdelay $0x2  }
0x15d: {  	s7 =	smov.u32 s16;
	s16 =	sadd.s32 $0x1, s16  }
0x15e: {  	p1 =	slt.s32 s16, $0x1FF;
	s30 =	smov.u32 s16  }
0x15f: {  	s30 =	simm.s32 @!p1 $0x1FF;
	[tilespmem:s0+$0x0] =	vst @!p0 v5  }
0x160: {  	v5 =	vld [tilespmem:s30+$0x0];
	_ =	sdelay $0x4  }
0x161: {  	(v2sf) =	vpush v5, $0x0;
	_ =	sdelay $0xe  }
0x162: {  	p0 =	sgt.s32 s7, $0x1FE;
	s30 =	spop (v2sf)  }
0x163: {  	p1 =	slt.s32 @!p0 s30, s31  }
0x164: {  	p1 =	por p0, !p1  }
.Ltmp12:
0x165: {  	_ = 	snop;
	(pc) =	sbr.rel @!p1 .LBB2_14-.Ltmp12, $2  }
0x166: {  	_ =	sdelay $0x2  }
0x167: {  	s0 =	sadd.s32 $0x80, s0  }
.Ltmp13:
0x168: {  	(pc) =	sbr.rel .LBB2_16-.Ltmp13, $2  }
0x169: {  	_ =	sdelay $0x2  }
0x16a: {  	s16 =	smov.u32 @p0 s16;
	s30 =	smov.u32 @p0 s30  }
.LBB2_18:
0x16b: {  	_ =	sfence.sel $0x180000  }
0x16c: {  	[bflag:$0x0] =	sbarrier.arrive $0xFFFF  }
0x16d: {  	_ =	strace $0x90000047  }
0x16e: {  	s0 =	stileid.u32;
	[bflag:$0x2] =	sbarrier.arrive $0xFFFF  }
0x16f: {  	p0 =	sne.s32 s0, $0x0;
	s0 =	rddreg [dreg:$0x6]  }
0x170: {  	s0 =	sadd.s32 @!p0 $0x100000, s0  }
0x171: {  	[sflag:s0] =	ssyncadd.tile.s32 @!p0 $0x1;
	_ =	shalt  }
.Lfunc_end2:
_tile_overlayer_lowered:
.L_overlay_start_2:
0x172: {  	(tag) =	ssettag $0x2  }
0x173: {  	s0 =	rddreg [dreg:$0x0];
	s2 =	stileid.u32  }
0x174: {  	s1 =	rddreg [dreg:$0x1];
	p0 =	sne.s32 s2, $0x0  }
0x175: {  	s3 =	rddreg [dreg:$0x2];
	[bflag:$0x3] =	sbarrier.arrive $0xFFFF;
	s2 =	simm.s32 @!p0 $0x1C06  }
0x176: {  	[timem:s3], [sflag:s2] =	dma.local @!p0 [hbm:s0], s1  }
0x177: {  	s0 =	simm.s32 @!p0 $0x6  }
0x178: {  	_ =	swait.ge @!p0 [sflag:s0], s1  }
0x179: {  	s1 =	ssub.s32 @!p0 $0x0, s1;
	[sflag:s0] =	ssyncset.done @!p0 $0x0  }
0x17a: {  	[sflag:s0] =	ssyncadd.s32 @!p0 s1  }
0x17b: {  	[bflag:$0x3] =	sbarrier.arrive $0xFFFF  }
0x17c: {  	_ =	shalt  }

</sc_bundles>
